<compile_context>
chip_gen: v7x
topology: tpu7x:2x2x1
jax: 0.10.2.dev20260603
libtpu: 0.0.44.dev20260713+nightly
codegen_flags: <defaults>
</compile_context>

<pallas_src>
import functools

import jax
import jax.numpy as jnp
from jax import lax
from jax.experimental import pallas as pl
from jax.experimental.pallas import tpu as pltpu
from jax.experimental.pallas import tpu_sc as plsc

_ROWS = 1002
_EMBED = 128
_BATCH = 16384
_HIST = 200

_B = _BATCH * _HIST
_GC = 128
_KJ = 80
_NB = 5
_NCHUNK = _B // _GC


def _make_gather():
    info = plsc.get_sparse_core_info()
    nc, ns = info.num_cores, info.num_subcores
    nw = nc * ns
    chunks_per_w = _NCHUNK // nw
    nsteps = chunks_per_w // _NB
    steps_per_block = _KJ // _NB
    nblocks = chunks_per_w // _KJ
    mesh = plsc.VectorSubcoreMesh(core_axis_name="c", subcore_axis_name="s")

    @functools.partial(
        pl.kernel,
        mesh=mesh,
        out_type=jax.ShapeDtypeStruct((_B, _EMBED), jnp.float32),
        scratch_types=[
            pltpu.VMEM((2 * _KJ, _GC), jnp.int32),
            pltpu.VMEM((_NB, _GC, _EMBED), jnp.float32),
            pltpu.VMEM_SHARED((_ROWS, _EMBED), jnp.float32),
        ]
        + [pltpu.SemaphoreType.DMA] * (1 + 2 * _NB),
    )
    def gather(idx_hbm, table_hbm, out_hbm, idx_v, rows_v, tab_sp, *sems):
        isem, gsems, ssems = sems[0], sems[1 : 1 + _NB], sems[1 + _NB :]
        sid = lax.axis_index("s")
        wid = sid * nc + lax.axis_index("c")
        chunk0 = wid * chunks_per_w

        @pl.when(sid == 0)
        def _():
            pltpu.sync_copy(table_hbm, tab_sp)

        pltpu.make_async_copy(
            idx_hbm.at[pl.ds(chunk0, _KJ)], idx_v.at[pl.ds(0, _KJ)], isem
        ).start()
        plsc.subcore_barrier()

        def step(t, carry):
            bi = t // steps_per_block

            @pl.when(t % steps_per_block == 0)
            def _():
                off_cur = pl.multiple_of(lax.rem(bi, 2) * _KJ, 8)
                off_nxt = pl.multiple_of(lax.rem(bi + 1, 2) * _KJ, 8)
                pltpu.make_async_copy(
                    idx_hbm.at[pl.ds(chunk0 + bi * _KJ, _KJ)],
                    idx_v.at[pl.ds(off_cur, _KJ)],
                    isem,
                ).wait()

                @pl.when(bi + 1 < nblocks)
                def _():
                    pltpu.make_async_copy(
                        idx_hbm.at[pl.ds(chunk0 + (bi + 1) * _KJ, _KJ)],
                        idx_v.at[pl.ds(off_nxt, _KJ)],
                        isem,
                    ).start()

            for p in range(_NB):
                c = chunk0 + _NB * t + p
                rows_p = rows_v.at[p]
                dst = out_hbm.at[pl.ds(c * _GC, _GC)]

                @pl.when(t > 0)
                def _():
                    pltpu.make_async_copy(rows_p, dst, ssems[p]).wait()

                row = idx_v.at[(_NB * t) % (2 * _KJ) + p]
                pltpu.make_async_copy(tab_sp.at[row], rows_p, gsems[p]).start()

            for p in range(_NB):
                c = chunk0 + _NB * t + p
                rows_p = rows_v.at[p]
                row = idx_v.at[(_NB * t) % (2 * _KJ) + p]
                pltpu.make_async_copy(tab_sp.at[row], rows_p, gsems[p]).wait()
                dst = out_hbm.at[pl.ds(c * _GC, _GC)]
                pltpu.make_async_copy(rows_p, dst, ssems[p]).start()
            return carry

        lax.fori_loop(0, nsteps, step, 0)
        for p in range(_NB):
            c = chunk0 + _NB * (nsteps - 1) + p
            dst = out_hbm.at[pl.ds(c * _GC, _GC)]
            pltpu.make_async_copy(rows_v.at[p], dst, ssems[p]).wait()

    return gather


def kernel(x, table):
    idx = x.astype(jnp.int32).reshape(_NCHUNK, _GC)
    out = _make_gather()(idx, table)
    return out.reshape(_BATCH, _HIST, _EMBED)

# --- scband reference (transcript-rebuilt; emitter-appended) ---
"""Pipeline reference for scband-base-model-89223650607918 (READ-ONLY COPY).

The authoritative reference and input builder live on the scoring server;
editing this copy changes nothing except your own understanding.
"""

import jax, jax.numpy as jnp
import numpy as np

VOCAB = 1000
ROWS = VOCAB + 2  # nn.Embedding(vocab_size + 2, embed_size)
EMBED = 128
BATCH = 16384
HIST = 200


def setup_inputs(seed: int = 0) -> dict:
    key = jax.random.key(seed)
    k1, k2 = jax.random.split(key)
    x = jax.random.randint(k1, (BATCH, HIST), 0, 1000)
    # learned parameter: embedding table sized per init_kwargs (vocab+2, embed_size)
    table = jax.random.normal(k2, (ROWS, EMBED), dtype=jnp.float32)
    return {"x": x, "table": table}


def reference(x, table):
    # Forward of BaseModel's embedding stage: self.embed_drop(self.embed(x)).
    # Dropout is identity in eval mode, so the forward is a pure embedding gather.
    out = jnp.take(table, x, axis=0)  # [BATCH, HIST, EMBED]
    return out

if __name__ == "__main__":
    import jax
    _d = setup_inputs()
    print(jax.jit(kernel)(*tuple(_d.values())))

</pallas_src>

<mosaic_0001>
#map = affine_map<(d0, d1) -> (0, 0)>
module attributes {stable_mosaic.version = 14 : i64} {
  func.func @gather(%arg0: i32, %arg1: i32, %arg2: memref<25600x128xi32, #tpu.memory_space<hbm>>, %arg3: memref<1002x128xf32, #tpu.memory_space<hbm>>, %arg4: memref<3276800x128xf32, #tpu.memory_space<hbm>>, %arg5: memref<160x128xi32, #tpu.memory_space<vmem>>, %arg6: memref<5x128x128xf32, #tpu.memory_space<vmem>>, %arg7: memref<1002x128xf32, #tpu.memory_space<vmem_shared>>, %arg8: memref<!tpu.dma_semaphore, #tpu.memory_space<semaphore_mem>>, %arg9: memref<!tpu.dma_semaphore, #tpu.memory_space<semaphore_mem>>, %arg10: memref<!tpu.dma_semaphore, #tpu.memory_space<semaphore_mem>>, %arg11: memref<!tpu.dma_semaphore, #tpu.memory_space<semaphore_mem>>, %arg12: memref<!tpu.dma_semaphore, #tpu.memory_space<semaphore_mem>>, %arg13: memref<!tpu.dma_semaphore, #tpu.memory_space<semaphore_mem>>, %arg14: memref<!tpu.dma_semaphore, #tpu.memory_space<semaphore_mem>>, %arg15: memref<!tpu.dma_semaphore, #tpu.memory_space<semaphore_mem>>, %arg16: memref<!tpu.dma_semaphore, #tpu.memory_space<semaphore_mem>>, %arg17: memref<!tpu.dma_semaphore, #tpu.memory_space<semaphore_mem>>, %arg18: memref<!tpu.dma_semaphore, #tpu.memory_space<semaphore_mem>>) attributes {dimension_semantics = [#tpu.dimension_semantics<core_parallel>, #tpu.dimension_semantics<subcore_parallel>], iteration_bounds = array<i64: 2, 16>, scalar_prefetch = 0 : i64, scratch_operands = 14 : i64, tpu.core_type = #tpu.core_type<sc_vector_subcore>, window_params = [{transform_indices = #map}, {transform_indices = #map}, {transform_indices = #map}]} {
    %mul3A = arith.constant 2 : i32
    %mul3A_0 = arith.muli %arg1, %mul3A : i32
    %add3A = arith.addi %mul3A_0, %arg0 : i32
    %mul3A_1 = arith.constant 800 : i32
    %mul3A_2 = arith.muli %add3A, %mul3A_1 : i32
    %eq3A = arith.constant 0 : i32
    %eq3A_3 = arith.cmpi eq, %arg1, %eq3A : i32
    %convert_element_type3A = arith.extui %eq3A_3 : i1 to i32
    %cond3A = arith.constant 0 : i32
    %cond3A_4 = arith.cmpi ne, %convert_element_type3A, %cond3A : i32
    scf.if %cond3A_4 {
      "tpu.region"() ({
        %run_scoped3A = tpu.sem_alloc : memref<!tpu.dma_semaphore, #tpu.memory_space<semaphore_mem>>
        tpu.enqueue_dma source(%arg3 : memref<1002x128xf32, #tpu.memory_space<hbm>>) target(%arg7 : memref<1002x128xf32, #tpu.memory_space<vmem_shared>>) target_semaphore(%run_scoped3A : memref<!tpu.dma_semaphore, #tpu.memory_space<semaphore_mem>>)
        tpu.wait_dma2 semaphore(%run_scoped3A : memref<!tpu.dma_semaphore, #tpu.memory_space<semaphore_mem>>) src(%arg3 : memref<1002x128xf32, #tpu.memory_space<hbm>>) dst(%arg7 : memref<1002x128xf32, #tpu.memory_space<vmem_shared>>)
        tpu.yield
      }) : () -> ()
    } else {
    }
    %dma_start3A = arith.constant 0 : i32
    %dma_start3A_5 = arith.constant 0 : i32
    %dma_start3A_6 = tpu.memref_slice %arg5[%dma_start3A, %dma_start3A_5] : memref<160x128xi32, #tpu.memory_space<vmem>> -> memref<80x128xi32, #tpu.memory_space<vmem>>
    %dma_start3A_7 = arith.constant 0 : i32
    %dma_start3A_8 = tpu.memref_slice %arg2[%mul3A_2, %dma_start3A_7] : memref<25600x128xi32, #tpu.memory_space<hbm>> -> memref<80x128xi32, #tpu.memory_space<hbm>>
    %dma_start3A_9 = arith.constant 0 : i32
    %dma_start3A_10 = arith.constant 0 : i32
    %dma_start3A_11 = tpu.memref_slice %arg5[%dma_start3A_9, %dma_start3A_10] : memref<160x128xi32, #tpu.memory_space<vmem>> -> memref<80x128xi32, #tpu.memory_space<vmem>>
    %dma_start3A_12 = arith.constant 0 : i32
    %dma_start3A_13 = tpu.memref_slice %arg2[%mul3A_2, %dma_start3A_12] : memref<25600x128xi32, #tpu.memory_space<hbm>> -> memref<80x128xi32, #tpu.memory_space<hbm>>
    tpu.enqueue_dma source(%dma_start3A_13 : memref<80x128xi32, #tpu.memory_space<hbm>>) target(%dma_start3A_11 : memref<80x128xi32, #tpu.memory_space<vmem>>) target_semaphore(%arg8 : memref<!tpu.dma_semaphore, #tpu.memory_space<semaphore_mem>>)
    %barrier3A = arith.constant 0 : index
    tpu.barrier barrier_id(%barrier3A)
    %scan3A = arith.constant 0 : i32
    %scan3A_14 = arith.constant 0 : i32
    %scan3A_15 = arith.constant 160 : i32
    %scan3A_16 = arith.addi %scan3A_14, %scan3A_15 : i32
    %scan3A_17 = arith.constant 1 : i32
    scf.for %scan3A_113 = %scan3A_14 to %scan3A_16 step %scan3A_17  : i32 {
      %jit3A = arith.constant 16 : i32
      %div3A = arith.divsi %scan3A_113, %jit3A : i32
      %sign3A = arith.constant 0 : i32
      %sign3A_114 = arith.cmpi sgt, %scan3A_113, %sign3A : i32
      %sign3A_115 = arith.extui %sign3A_114 : i1 to i32
      %sign3A_116 = arith.constant 0 : i32
      %sign3A_117 = arith.cmpi slt, %scan3A_113, %sign3A_116 : i32
      %sign3A_118 = arith.extui %sign3A_117 : i1 to i32
      %sign3A_119 = arith.subi %sign3A_115, %sign3A_118 : i32
      %sign3A_120 = arith.constant 0 : i32
      %sign3A_121 = arith.cmpi sgt, %jit3A, %sign3A_120 : i32
      %sign3A_122 = arith.extui %sign3A_121 : i1 to i32
      %sign3A_123 = arith.constant 0 : i32
      %sign3A_124 = arith.cmpi slt, %jit3A, %sign3A_123 : i32
      %sign3A_125 = arith.extui %sign3A_124 : i1 to i32
      %sign3A_126 = arith.subi %sign3A_122, %sign3A_125 : i32
      %ne3A = arith.cmpi ne, %sign3A_119, %sign3A_126 : i32
      %rem3A = arith.remsi %scan3A_113, %jit3A : i32
      %ne3A_127 = arith.constant 0 : i32
      %ne3A_128 = arith.cmpi ne, %rem3A, %ne3A_127 : i32
      %and3A = arith.andi %ne3A, %ne3A_128 : i1
      %sub3A = arith.constant 1 : i32
      %sub3A_129 = arith.subi %div3A, %sub3A : i32
      %select_n3A = arith.select %and3A, %sub3A_129, %div3A : i32
      %jit3A_130 = arith.constant 16 : i32
      %eq3A_131 = arith.constant 0 : i32
      %eq3A_132 = arith.cmpi eq, %jit3A_130, %eq3A_131 : i32
      %jit3A_133 = arith.constant 1 : i32
      %select_n3A_134 = arith.select %eq3A_132, %jit3A_133, %jit3A_130 : i32
      %rem3A_135 = arith.remsi %scan3A_113, %select_n3A_134 : i32
      %ne3A_136 = arith.constant 0 : i32
      %ne3A_137 = arith.cmpi ne, %rem3A_135, %ne3A_136 : i32
      %lt3A = arith.constant 0 : i32
      %lt3A_138 = arith.cmpi slt, %rem3A_135, %lt3A : i32
      %lt3A_139 = arith.constant 0 : i32
      %lt3A_140 = arith.cmpi slt, %select_n3A_134, %lt3A_139 : i32
      %ne3A_141 = arith.xori %lt3A_138, %lt3A_140 : i1
      %and3A_142 = arith.andi %ne3A_141, %ne3A_137 : i1
      %add3A_143 = arith.addi %rem3A_135, %select_n3A_134 : i32
      %select_n3A_144 = arith.select %and3A_142, %add3A_143, %rem3A_135 : i32
      %eq3A_145 = arith.constant 0 : i32
      %eq3A_146 = arith.cmpi eq, %select_n3A_144, %eq3A_145 : i32
      %convert_element_type3A_147 = arith.extui %eq3A_146 : i1 to i32
      %cond3A_148 = arith.constant 0 : i32
      %cond3A_149 = arith.cmpi ne, %convert_element_type3A_147, %cond3A_148 : i32
      scf.if %cond3A_149 {
        %rem3A_624 = arith.constant 2 : i32
        %rem3A_625 = arith.remsi %select_n3A, %rem3A_624 : i32
        %mul3A_626 = arith.constant 80 : i32
        %mul3A_627 = arith.muli %rem3A_625, %mul3A_626 : i32
        %multiple_of3A = tpu.assume_multiple %mul3A_627, 8 : i32
        %add3A_628 = arith.constant 1 : i32
        %add3A_629 = arith.addi %select_n3A, %add3A_628 : i32
        %rem3A_630 = arith.constant 2 : i32
        %rem3A_631 = arith.remsi %add3A_629, %rem3A_630 : i32
        %mul3A_632 = arith.constant 80 : i32
        %mul3A_633 = arith.muli %rem3A_631, %mul3A_632 : i32
        %multiple_of3A_634 = tpu.assume_multiple %mul3A_633, 8 : i32
        %mul3A_635 = arith.constant 80 : i32
        %mul3A_636 = arith.muli %select_n3A, %mul3A_635 : i32
        %add3A_637 = arith.addi %mul3A_2, %mul3A_636 : i32
        %dma_wait3A_638 = arith.constant 0 : i32
        %dma_wait3A_639 = tpu.memref_slice %arg5[%multiple_of3A, %dma_wait3A_638] : memref<160x128xi32, #tpu.memory_space<vmem>> -> memref<80x128xi32, #tpu.memory_space<vmem>>
        %dma_wait3A_640 = arith.constant 0 : i32
        %dma_wait3A_641 = tpu.memref_slice %arg2[%add3A_637, %dma_wait3A_640] : memref<25600x128xi32, #tpu.memory_space<hbm>> -> memref<80x128xi32, #tpu.memory_space<hbm>>
        %dma_wait3A_642 = arith.constant 0 : i32
        %dma_wait3A_643 = tpu.memref_slice %arg5[%multiple_of3A, %dma_wait3A_642] : memref<160x128xi32, #tpu.memory_space<vmem>> -> memref<80x128xi32, #tpu.memory_space<vmem>>
        %dma_wait3A_644 = arith.constant 0 : i32
        %dma_wait3A_645 = tpu.memref_slice %arg2[%add3A_637, %dma_wait3A_644] : memref<25600x128xi32, #tpu.memory_space<hbm>> -> memref<80x128xi32, #tpu.memory_space<hbm>>
        tpu.wait_dma2 semaphore(%arg8 : memref<!tpu.dma_semaphore, #tpu.memory_space<semaphore_mem>>) src(%dma_wait3A_645 : memref<80x128xi32, #tpu.memory_space<hbm>>) dst(%dma_wait3A_643 : memref<80x128xi32, #tpu.memory_space<vmem>>)
        %add3A_646 = arith.constant 1 : i32
        %add3A_647 = arith.addi %select_n3A, %add3A_646 : i32
        %lt3A_648 = arith.constant 10 : i32
        %lt3A_649 = arith.cmpi slt, %add3A_647, %lt3A_648 : i32
        %convert_element_type3A_650 = arith.extui %lt3A_649 : i1 to i32
        %cond3A_651 = arith.constant 0 : i32
        %cond3A_652 = arith.cmpi ne, %convert_element_type3A_650, %cond3A_651 : i32
        scf.if %cond3A_652 {
          %add3A_653 = arith.constant 1 : i32
          %add3A_654 = arith.addi %select_n3A, %add3A_653 : i32
          %mul3A_655 = arith.constant 80 : i32
          %mul3A_656 = arith.muli %add3A_654, %mul3A_655 : i32
          %add3A_657 = arith.addi %mul3A_2, %mul3A_656 : i32
          %dma_start3A_658 = arith.constant 0 : i32
          %dma_start3A_659 = tpu.memref_slice %arg5[%multiple_of3A_634, %dma_start3A_658] : memref<160x128xi32, #tpu.memory_space<vmem>> -> memref<80x128xi32, #tpu.memory_space<vmem>>
          %dma_start3A_660 = arith.constant 0 : i32
          %dma_start3A_661 = tpu.memref_slice %arg2[%add3A_657, %dma_start3A_660] : memref<25600x128xi32, #tpu.memory_space<hbm>> -> memref<80x128xi32, #tpu.memory_space<hbm>>
          %dma_start3A_662 = arith.constant 0 : i32
          %dma_start3A_663 = tpu.memref_slice %arg5[%multiple_of3A_634, %dma_start3A_662] : memref<160x128xi32, #tpu.memory_space<vmem>> -> memref<80x128xi32, #tpu.memory_space<vmem>>
          %dma_start3A_664 = arith.constant 0 : i32
          %dma_start3A_665 = tpu.memref_slice %arg2[%add3A_657, %dma_start3A_664] : memref<25600x128xi32, #tpu.memory_space<hbm>> -> memref<80x128xi32, #tpu.memory_space<hbm>>
          tpu.enqueue_dma source(%dma_start3A_665 : memref<80x128xi32, #tpu.memory_space<hbm>>) target(%dma_start3A_663 : memref<80x128xi32, #tpu.memory_space<vmem>>) target_semaphore(%arg8 : memref<!tpu.dma_semaphore, #tpu.memory_space<semaphore_mem>>)
        } else {
        }
      } else {
      }
      %mul3A_150 = arith.constant 5 : i32
      %mul3A_151 = arith.muli %mul3A_150, %scan3A_113 : i32
      %add3A_152 = arith.addi %mul3A_2, %mul3A_151 : i32
      %add3A_153 = arith.constant 0 : i32
      %add3A_154 = arith.addi %add3A_152, %add3A_153 : i32
      %mul3A_155 = arith.constant 128 : i32
      %mul3A_156 = arith.muli %add3A_154, %mul3A_155 : i32
      %gt3A = arith.constant 0 : i32
      %gt3A_157 = arith.cmpi sgt, %scan3A_113, %gt3A : i32
      %convert_element_type3A_158 = arith.extui %gt3A_157 : i1 to i32
      %cond3A_159 = arith.constant 0 : i32
      %cond3A_160 = arith.constant 0 : i32
      %cond3A_161 = arith.cmpi ne, %convert_element_type3A_158, %cond3A_160 : i32
      scf.if %cond3A_161 {
        %dma_wait3A_624 = arith.constant 0 : i32
        %dma_wait3A_625 = arith.constant 0 : i32
        %dma_wait3A_626 = tpu.memref_slice %arg6[%cond3A_159, %dma_wait3A_624, %dma_wait3A_625] : memref<5x128x128xf32, #tpu.memory_space<vmem>> -> memref<1x128x128xf32, #tpu.memory_space<vmem>>
        %dma_wait3A_627 = tpu.memref_squeeze %dma_wait3A_626 : memref<1x128x128xf32, #tpu.memory_space<vmem>> -> memref<128x128xf32, #tpu.memory_space<vmem>>
        %dma_wait3A_628 = arith.constant 0 : i32
        %dma_wait3A_629 = tpu.memref_slice %arg4[%mul3A_156, %dma_wait3A_628] : memref<3276800x128xf32, #tpu.memory_space<hbm>> -> memref<128x128xf32, #tpu.memory_space<hbm>>
        %dma_wait3A_630 = arith.constant 0 : i32
        %dma_wait3A_631 = tpu.memref_slice %arg4[%mul3A_156, %dma_wait3A_630] : memref<3276800x128xf32, #tpu.memory_space<hbm>> -> memref<128x128xf32, #tpu.memory_space<hbm>>
        %dma_wait3A_632 = arith.constant 0 : i32
        %dma_wait3A_633 = arith.constant 0 : i32
        %dma_wait3A_634 = tpu.memref_slice %arg6[%cond3A_159, %dma_wait3A_632, %dma_wait3A_633] : memref<5x128x128xf32, #tpu.memory_space<vmem>> -> memref<1x128x128xf32, #tpu.memory_space<vmem>>
        %dma_wait3A_635 = tpu.memref_squeeze %dma_wait3A_634 : memref<1x128x128xf32, #tpu.memory_space<vmem>> -> memref<128x128xf32, #tpu.memory_space<vmem>>
        tpu.wait_dma2 semaphore(%arg14 : memref<!tpu.dma_semaphore, #tpu.memory_space<semaphore_mem>>) src(%dma_wait3A_635 : memref<128x128xf32, #tpu.memory_space<vmem>>) dst(%dma_wait3A_631 : memref<128x128xf32, #tpu.memory_space<hbm>>)
      } else {
      }
      %mul3A_162 = arith.constant 5 : i32
      %mul3A_163 = arith.muli %mul3A_162, %scan3A_113 : i32
      %jit3A_164 = arith.constant 160 : i32
      %eq3A_165 = arith.constant 0 : i32
      %eq3A_166 = arith.cmpi eq, %jit3A_164, %eq3A_165 : i32
      %jit3A_167 = arith.constant 1 : i32
      %select_n3A_168 = arith.select %eq3A_166, %jit3A_167, %jit3A_164 : i32
      %rem3A_169 = arith.remsi %mul3A_163, %select_n3A_168 : i32
      %ne3A_170 = arith.constant 0 : i32
      %ne3A_171 = arith.cmpi ne, %rem3A_169, %ne3A_170 : i32
      %lt3A_172 = arith.constant 0 : i32
      %lt3A_173 = arith.cmpi slt, %rem3A_169, %lt3A_172 : i32
      %lt3A_174 = arith.constant 0 : i32
      %lt3A_175 = arith.cmpi slt, %select_n3A_168, %lt3A_174 : i32
      %ne3A_176 = arith.xori %lt3A_173, %lt3A_175 : i1
      %and3A_177 = arith.andi %ne3A_176, %ne3A_171 : i1
      %add3A_178 = arith.addi %rem3A_169, %select_n3A_168 : i32
      %select_n3A_179 = arith.select %and3A_177, %add3A_178, %rem3A_169 : i32
      %add3A_180 = arith.constant 0 : i32
      %add3A_181 = arith.addi %select_n3A_179, %add3A_180 : i32
      %dma_start3A_182 = arith.constant 0 : i32
      %dma_start3A_183 = arith.constant 0 : i32
      %dma_start3A_184 = arith.constant 0 : i32
      %dma_start3A_185 = tpu.memref_slice %arg6[%dma_start3A_182, %dma_start3A_183, %dma_start3A_184] : memref<5x128x128xf32, #tpu.memory_space<vmem>> -> memref<1x128x128xf32, #tpu.memory_space<vmem>>
      %dma_start3A_186 = tpu.memref_squeeze %dma_start3A_185 : memref<1x128x128xf32, #tpu.memory_space<vmem>> -> memref<128x128xf32, #tpu.memory_space<vmem>>
      %dma_start3A_187 = arith.constant 0 : i32
      %dma_start3A_188 = tpu.memref_slice %arg5[%add3A_181, %dma_start3A_187] : memref<160x128xi32, #tpu.memory_space<vmem>> -> memref<1x128xi32, #tpu.memory_space<vmem>>
      %dma_start3A_189 = tpu.memref_squeeze %dma_start3A_188 : memref<1x128xi32, #tpu.memory_space<vmem>> -> memref<128xi32, #tpu.memory_space<vmem>>
      %dma_start3A_190 = arith.constant 0 : i32
      %dma_start3A_191 = arith.constant 0 : i32
      %dma_start3A_192 = tpu.memref_slice %arg7[%dma_start3A_190, %dma_start3A_191] : memref<1002x128xf32, #tpu.memory_space<vmem_shared>> -> memref<1002x128xf32, #tpu.memory_space<vmem_shared>>
      tpu.enqueue_indirect_dma source(%dma_start3A_192 : memref<1002x128xf32, #tpu.memory_space<vmem_shared>>) target(%dma_start3A_186 : memref<128x128xf32, #tpu.memory_space<vmem>>) offsets(%dma_start3A_189 : memref<128xi32, #tpu.memory_space<vmem>>) semaphore(%arg9 : memref<!tpu.dma_semaphore, #tpu.memory_space<semaphore_mem>>)
      %mul3A_193 = arith.constant 5 : i32
      %mul3A_194 = arith.muli %mul3A_193, %scan3A_113 : i32
      %add3A_195 = arith.addi %mul3A_2, %mul3A_194 : i32
      %add3A_196 = arith.constant 1 : i32
      %add3A_197 = arith.addi %add3A_195, %add3A_196 : i32
      %mul3A_198 = arith.constant 128 : i32
      %mul3A_199 = arith.muli %add3A_197, %mul3A_198 : i32
      %gt3A_200 = arith.constant 0 : i32
      %gt3A_201 = arith.cmpi sgt, %scan3A_113, %gt3A_200 : i32
      %convert_element_type3A_202 = arith.extui %gt3A_201 : i1 to i32
      %cond3A_203 = arith.constant 1 : i32
      %cond3A_204 = arith.constant 0 : i32
      %cond3A_205 = arith.cmpi ne, %convert_element_type3A_202, %cond3A_204 : i32
      scf.if %cond3A_205 {
        %dma_wait3A_624 = arith.constant 0 : i32
        %dma_wait3A_625 = arith.constant 0 : i32
        %dma_wait3A_626 = tpu.memref_slice %arg6[%cond3A_203, %dma_wait3A_624, %dma_wait3A_625] : memref<5x128x128xf32, #tpu.memory_space<vmem>> -> memref<1x128x128xf32, #tpu.memory_space<vmem>>
        %dma_wait3A_627 = tpu.memref_squeeze %dma_wait3A_626 : memref<1x128x128xf32, #tpu.memory_space<vmem>> -> memref<128x128xf32, #tpu.memory_space<vmem>>
        %dma_wait3A_628 = arith.constant 0 : i32
        %dma_wait3A_629 = tpu.memref_slice %arg4[%mul3A_199, %dma_wait3A_628] : memref<3276800x128xf32, #tpu.memory_space<hbm>> -> memref<128x128xf32, #tpu.memory_space<hbm>>
        %dma_wait3A_630 = arith.constant 0 : i32
        %dma_wait3A_631 = tpu.memref_slice %arg4[%mul3A_199, %dma_wait3A_630] : memref<3276800x128xf32, #tpu.memory_space<hbm>> -> memref<128x128xf32, #tpu.memory_space<hbm>>
        %dma_wait3A_632 = arith.constant 0 : i32
        %dma_wait3A_633 = arith.constant 0 : i32
        %dma_wait3A_634 = tpu.memref_slice %arg6[%cond3A_203, %dma_wait3A_632, %dma_wait3A_633] : memref<5x128x128xf32, #tpu.memory_space<vmem>> -> memref<1x128x128xf32, #tpu.memory_space<vmem>>
        %dma_wait3A_635 = tpu.memref_squeeze %dma_wait3A_634 : memref<1x128x128xf32, #tpu.memory_space<vmem>> -> memref<128x128xf32, #tpu.memory_space<vmem>>
        tpu.wait_dma2 semaphore(%arg15 : memref<!tpu.dma_semaphore, #tpu.memory_space<semaphore_mem>>) src(%dma_wait3A_635 : memref<128x128xf32, #tpu.memory_space<vmem>>) dst(%dma_wait3A_631 : memref<128x128xf32, #tpu.memory_space<hbm>>)
      } else {
      }
      %mul3A_206 = arith.constant 5 : i32
      %mul3A_207 = arith.muli %mul3A_206, %scan3A_113 : i32
      %jit3A_208 = arith.constant 160 : i32
      %eq3A_209 = arith.constant 0 : i32
      %eq3A_210 = arith.cmpi eq, %jit3A_208, %eq3A_209 : i32
      %jit3A_211 = arith.constant 1 : i32
      %select_n3A_212 = arith.select %eq3A_210, %jit3A_211, %jit3A_208 : i32
      %rem3A_213 = arith.remsi %mul3A_207, %select_n3A_212 : i32
      %ne3A_214 = arith.constant 0 : i32
      %ne3A_215 = arith.cmpi ne, %rem3A_213, %ne3A_214 : i32
      %lt3A_216 = arith.constant 0 : i32
      %lt3A_217 = arith.cmpi slt, %rem3A_213, %lt3A_216 : i32
      %lt3A_218 = arith.constant 0 : i32
      %lt3A_219 = arith.cmpi slt, %select_n3A_212, %lt3A_218 : i32
      %ne3A_220 = arith.xori %lt3A_217, %lt3A_219 : i1
      %and3A_221 = arith.andi %ne3A_220, %ne3A_215 : i1
      %add3A_222 = arith.addi %rem3A_213, %select_n3A_212 : i32
      %select_n3A_223 = arith.select %and3A_221, %add3A_222, %rem3A_213 : i32
      %add3A_224 = arith.constant 1 : i32
      %add3A_225 = arith.addi %select_n3A_223, %add3A_224 : i32
      %dma_start3A_226 = arith.constant 1 : i32
      %dma_start3A_227 = arith.constant 0 : i32
      %dma_start3A_228 = arith.constant 0 : i32
      %dma_start3A_229 = tpu.memref_slice %arg6[%dma_start3A_226, %dma_start3A_227, %dma_start3A_228] : memref<5x128x128xf32, #tpu.memory_space<vmem>> -> memref<1x128x128xf32, #tpu.memory_space<vmem>>
      %dma_start3A_230 = tpu.memref_squeeze %dma_start3A_229 : memref<1x128x128xf32, #tpu.memory_space<vmem>> -> memref<128x128xf32, #tpu.memory_space<vmem>>
      %dma_start3A_231 = arith.constant 0 : i32
      %dma_start3A_232 = tpu.memref_slice %arg5[%add3A_225, %dma_start3A_231] : memref<160x128xi32, #tpu.memory_space<vmem>> -> memref<1x128xi32, #tpu.memory_space<vmem>>
      %dma_start3A_233 = tpu.memref_squeeze %dma_start3A_232 : memref<1x128xi32, #tpu.memory_space<vmem>> -> memref<128xi32, #tpu.memory_space<vmem>>
      %dma_start3A_234 = arith.constant 0 : i32
      %dma_start3A_235 = arith.constant 0 : i32
      %dma_start3A_236 = tpu.memref_slice %arg7[%dma_start3A_234, %dma_start3A_235] : memref<1002x128xf32, #tpu.memory_space<vmem_shared>> -> memref<1002x128xf32, #tpu.memory_space<vmem_shared>>
      tpu.enqueue_indirect_dma source(%dma_start3A_236 : memref<1002x128xf32, #tpu.memory_space<vmem_shared>>) target(%dma_start3A_230 : memref<128x128xf32, #tpu.memory_space<vmem>>) offsets(%dma_start3A_233 : memref<128xi32, #tpu.memory_space<vmem>>) semaphore(%arg10 : memref<!tpu.dma_semaphore, #tpu.memory_space<semaphore_mem>>)
      %mul3A_237 = arith.constant 5 : i32
      %mul3A_238 = arith.muli %mul3A_237, %scan3A_113 : i32
      %add3A_239 = arith.addi %mul3A_2, %mul3A_238 : i32
      %add3A_240 = arith.constant 2 : i32
      %add3A_241 = arith.addi %add3A_239, %add3A_240 : i32
      %mul3A_242 = arith.constant 128 : i32
      %mul3A_243 = arith.muli %add3A_241, %mul3A_242 : i32
      %gt3A_244 = arith.constant 0 : i32
      %gt3A_245 = arith.cmpi sgt, %scan3A_113, %gt3A_244 : i32
      %convert_element_type3A_246 = arith.extui %gt3A_245 : i1 to i32
      %cond3A_247 = arith.constant 2 : i32
      %cond3A_248 = arith.constant 0 : i32
      %cond3A_249 = arith.cmpi ne, %convert_element_type3A_246, %cond3A_248 : i32
      scf.if %cond3A_249 {
        %dma_wait3A_624 = arith.constant 0 : i32
        %dma_wait3A_625 = arith.constant 0 : i32
        %dma_wait3A_626 = tpu.memref_slice %arg6[%cond3A_247, %dma_wait3A_624, %dma_wait3A_625] : memref<5x128x128xf32, #tpu.memory_space<vmem>> -> memref<1x128x128xf32, #tpu.memory_space<vmem>>
        %dma_wait3A_627 = tpu.memref_squeeze %dma_wait3A_626 : memref<1x128x128xf32, #tpu.memory_space<vmem>> -> memref<128x128xf32, #tpu.memory_space<vmem>>
        %dma_wait3A_628 = arith.constant 0 : i32
        %dma_wait3A_629 = tpu.memref_slice %arg4[%mul3A_243, %dma_wait3A_628] : memref<3276800x128xf32, #tpu.memory_space<hbm>> -> memref<128x128xf32, #tpu.memory_space<hbm>>
        %dma_wait3A_630 = arith.constant 0 : i32
        %dma_wait3A_631 = tpu.memref_slice %arg4[%mul3A_243, %dma_wait3A_630] : memref<3276800x128xf32, #tpu.memory_space<hbm>> -> memref<128x128xf32, #tpu.memory_space<hbm>>
        %dma_wait3A_632 = arith.constant 0 : i32
        %dma_wait3A_633 = arith.constant 0 : i32
        %dma_wait3A_634 = tpu.memref_slice %arg6[%cond3A_247, %dma_wait3A_632, %dma_wait3A_633] : memref<5x128x128xf32, #tpu.memory_space<vmem>> -> memref<1x128x128xf32, #tpu.memory_space<vmem>>
        %dma_wait3A_635 = tpu.memref_squeeze %dma_wait3A_634 : memref<1x128x128xf32, #tpu.memory_space<vmem>> -> memref<128x128xf32, #tpu.memory_space<vmem>>
        tpu.wait_dma2 semaphore(%arg16 : memref<!tpu.dma_semaphore, #tpu.memory_space<semaphore_mem>>) src(%dma_wait3A_635 : memref<128x128xf32, #tpu.memory_space<vmem>>) dst(%dma_wait3A_631 : memref<128x128xf32, #tpu.memory_space<hbm>>)
      } else {
      }
      %mul3A_250 = arith.constant 5 : i32
      %mul3A_251 = arith.muli %mul3A_250, %scan3A_113 : i32
      %jit3A_252 = arith.constant 160 : i32
      %eq3A_253 = arith.constant 0 : i32
      %eq3A_254 = arith.cmpi eq, %jit3A_252, %eq3A_253 : i32
      %jit3A_255 = arith.constant 1 : i32
      %select_n3A_256 = arith.select %eq3A_254, %jit3A_255, %jit3A_252 : i32
      %rem3A_257 = arith.remsi %mul3A_251, %select_n3A_256 : i32
      %ne3A_258 = arith.constant 0 : i32
      %ne3A_259 = arith.cmpi ne, %rem3A_257, %ne3A_258 : i32
      %lt3A_260 = arith.constant 0 : i32
      %lt3A_261 = arith.cmpi slt, %rem3A_257, %lt3A_260 : i32
      %lt3A_262 = arith.constant 0 : i32
      %lt3A_263 = arith.cmpi slt, %select_n3A_256, %lt3A_262 : i32
      %ne3A_264 = arith.xori %lt3A_261, %lt3A_263 : i1
      %and3A_265 = arith.andi %ne3A_264, %ne3A_259 : i1
      %add3A_266 = arith.addi %rem3A_257, %select_n3A_256 : i32
      %select_n3A_267 = arith.select %and3A_265, %add3A_266, %rem3A_257 : i32
      %add3A_268 = arith.constant 2 : i32
      %add3A_269 = arith.addi %select_n3A_267, %add3A_268 : i32
      %dma_start3A_270 = arith.constant 2 : i32
      %dma_start3A_271 = arith.constant 0 : i32
      %dma_start3A_272 = arith.constant 0 : i32
      %dma_start3A_273 = tpu.memref_slice %arg6[%dma_start3A_270, %dma_start3A_271, %dma_start3A_272] : memref<5x128x128xf32, #tpu.memory_space<vmem>> -> memref<1x128x128xf32, #tpu.memory_space<vmem>>
      %dma_start3A_274 = tpu.memref_squeeze %dma_start3A_273 : memref<1x128x128xf32, #tpu.memory_space<vmem>> -> memref<128x128xf32, #tpu.memory_space<vmem>>
      %dma_start3A_275 = arith.constant 0 : i32
      %dma_start3A_276 = tpu.memref_slice %arg5[%add3A_269, %dma_start3A_275] : memref<160x128xi32, #tpu.memory_space<vmem>> -> memref<1x128xi32, #tpu.memory_space<vmem>>
      %dma_start3A_277 = tpu.memref_squeeze %dma_start3A_276 : memref<1x128xi32, #tpu.memory_space<vmem>> -> memref<128xi32, #tpu.memory_space<vmem>>
      %dma_start3A_278 = arith.constant 0 : i32
      %dma_start3A_279 = arith.constant 0 : i32
      %dma_start3A_280 = tpu.memref_slice %arg7[%dma_start3A_278, %dma_start3A_279] : memref<1002x128xf32, #tpu.memory_space<vmem_shared>> -> memref<1002x128xf32, #tpu.memory_space<vmem_shared>>
      tpu.enqueue_indirect_dma source(%dma_start3A_280 : memref<1002x128xf32, #tpu.memory_space<vmem_shared>>) target(%dma_start3A_274 : memref<128x128xf32, #tpu.memory_space<vmem>>) offsets(%dma_start3A_277 : memref<128xi32, #tpu.memory_space<vmem>>) semaphore(%arg11 : memref<!tpu.dma_semaphore, #tpu.memory_space<semaphore_mem>>)
      %mul3A_281 = arith.constant 5 : i32
      %mul3A_282 = arith.muli %mul3A_281, %scan3A_113 : i32
      %add3A_283 = arith.addi %mul3A_2, %mul3A_282 : i32
      %add3A_284 = arith.constant 3 : i32
      %add3A_285 = arith.addi %add3A_283, %add3A_284 : i32
      %mul3A_286 = arith.constant 128 : i32
      %mul3A_287 = arith.muli %add3A_285, %mul3A_286 : i32
      %gt3A_288 = arith.constant 0 : i32
      %gt3A_289 = arith.cmpi sgt, %scan3A_113, %gt3A_288 : i32
      %convert_element_type3A_290 = arith.extui %gt3A_289 : i1 to i32
      %cond3A_291 = arith.constant 3 : i32
      %cond3A_292 = arith.constant 0 : i32
      %cond3A_293 = arith.cmpi ne, %convert_element_type3A_290, %cond3A_292 : i32
      scf.if %cond3A_293 {
        %dma_wait3A_624 = arith.constant 0 : i32
        %dma_wait3A_625 = arith.constant 0 : i32
        %dma_wait3A_626 = tpu.memref_slice %arg6[%cond3A_291, %dma_wait3A_624, %dma_wait3A_625] : memref<5x128x128xf32, #tpu.memory_space<vmem>> -> memref<1x128x128xf32, #tpu.memory_space<vmem>>
        %dma_wait3A_627 = tpu.memref_squeeze %dma_wait3A_626 : memref<1x128x128xf32, #tpu.memory_space<vmem>> -> memref<128x128xf32, #tpu.memory_space<vmem>>
        %dma_wait3A_628 = arith.constant 0 : i32
        %dma_wait3A_629 = tpu.memref_slice %arg4[%mul3A_287, %dma_wait3A_628] : memref<3276800x128xf32, #tpu.memory_space<hbm>> -> memref<128x128xf32, #tpu.memory_space<hbm>>
        %dma_wait3A_630 = arith.constant 0 : i32
        %dma_wait3A_631 = tpu.memref_slice %arg4[%mul3A_287, %dma_wait3A_630] : memref<3276800x128xf32, #tpu.memory_space<hbm>> -> memref<128x128xf32, #tpu.memory_space<hbm>>
        %dma_wait3A_632 = arith.constant 0 : i32
        %dma_wait3A_633 = arith.constant 0 : i32
        %dma_wait3A_634 = tpu.memref_slice %arg6[%cond3A_291, %dma_wait3A_632, %dma_wait3A_633] : memref<5x128x128xf32, #tpu.memory_space<vmem>> -> memref<1x128x128xf32, #tpu.memory_space<vmem>>
        %dma_wait3A_635 = tpu.memref_squeeze %dma_wait3A_634 : memref<1x128x128xf32, #tpu.memory_space<vmem>> -> memref<128x128xf32, #tpu.memory_space<vmem>>
        tpu.wait_dma2 semaphore(%arg17 : memref<!tpu.dma_semaphore, #tpu.memory_space<semaphore_mem>>) src(%dma_wait3A_635 : memref<128x128xf32, #tpu.memory_space<vmem>>) dst(%dma_wait3A_631 : memref<128x128xf32, #tpu.memory_space<hbm>>)
      } else {
      }
      %mul3A_294 = arith.constant 5 : i32
      %mul3A_295 = arith.muli %mul3A_294, %scan3A_113 : i32
      %jit3A_296 = arith.constant 160 : i32
      %eq3A_297 = arith.constant 0 : i32
      %eq3A_298 = arith.cmpi eq, %jit3A_296, %eq3A_297 : i32
      %jit3A_299 = arith.constant 1 : i32
      %select_n3A_300 = arith.select %eq3A_298, %jit3A_299, %jit3A_296 : i32
      %rem3A_301 = arith.remsi %mul3A_295, %select_n3A_300 : i32
      %ne3A_302 = arith.constant 0 : i32
      %ne3A_303 = arith.cmpi ne, %rem3A_301, %ne3A_302 : i32
      %lt3A_304 = arith.constant 0 : i32
      %lt3A_305 = arith.cmpi slt, %rem3A_301, %lt3A_304 : i32
      %lt3A_306 = arith.constant 0 : i32
      %lt3A_307 = arith.cmpi slt, %select_n3A_300, %lt3A_306 : i32
      %ne3A_308 = arith.xori %lt3A_305, %lt3A_307 : i1
      %and3A_309 = arith.andi %ne3A_308, %ne3A_303 : i1
      %add3A_310 = arith.addi %rem3A_301, %select_n3A_300 : i32
      %select_n3A_311 = arith.select %and3A_309, %add3A_310, %rem3A_301 : i32
      %add3A_312 = arith.constant 3 : i32
      %add3A_313 = arith.addi %select_n3A_311, %add3A_312 : i32
      %dma_start3A_314 = arith.constant 3 : i32
      %dma_start3A_315 = arith.constant 0 : i32
      %dma_start3A_316 = arith.constant 0 : i32
      %dma_start3A_317 = tpu.memref_slice %arg6[%dma_start3A_314, %dma_start3A_315, %dma_start3A_316] : memref<5x128x128xf32, #tpu.memory_space<vmem>> -> memref<1x128x128xf32, #tpu.memory_space<vmem>>
      %dma_start3A_318 = tpu.memref_squeeze %dma_start3A_317 : memref<1x128x128xf32, #tpu.memory_space<vmem>> -> memref<128x128xf32, #tpu.memory_space<vmem>>
      %dma_start3A_319 = arith.constant 0 : i32
      %dma_start3A_320 = tpu.memref_slice %arg5[%add3A_313, %dma_start3A_319] : memref<160x128xi32, #tpu.memory_space<vmem>> -> memref<1x128xi32, #tpu.memory_space<vmem>>
      %dma_start3A_321 = tpu.memref_squeeze %dma_start3A_320 : memref<1x128xi32, #tpu.memory_space<vmem>> -> memref<128xi32, #tpu.memory_space<vmem>>
      %dma_start3A_322 = arith.constant 0 : i32
      %dma_start3A_323 = arith.constant 0 : i32
      %dma_start3A_324 = tpu.memref_slice %arg7[%dma_start3A_322, %dma_start3A_323] : memref<1002x128xf32, #tpu.memory_space<vmem_shared>> -> memref<1002x128xf32, #tpu.memory_space<vmem_shared>>
      tpu.enqueue_indirect_dma source(%dma_start3A_324 : memref<1002x128xf32, #tpu.memory_space<vmem_shared>>) target(%dma_start3A_318 : memref<128x128xf32, #tpu.memory_space<vmem>>) offsets(%dma_start3A_321 : memref<128xi32, #tpu.memory_space<vmem>>) semaphore(%arg12 : memref<!tpu.dma_semaphore, #tpu.memory_space<semaphore_mem>>)
      %mul3A_325 = arith.constant 5 : i32
      %mul3A_326 = arith.muli %mul3A_325, %scan3A_113 : i32
      %add3A_327 = arith.addi %mul3A_2, %mul3A_326 : i32
      %add3A_328 = arith.constant 4 : i32
      %add3A_329 = arith.addi %add3A_327, %add3A_328 : i32
      %mul3A_330 = arith.constant 128 : i32
      %mul3A_331 = arith.muli %add3A_329, %mul3A_330 : i32
      %gt3A_332 = arith.constant 0 : i32
      %gt3A_333 = arith.cmpi sgt, %scan3A_113, %gt3A_332 : i32
      %convert_element_type3A_334 = arith.extui %gt3A_333 : i1 to i32
      %cond3A_335 = arith.constant 4 : i32
      %cond3A_336 = arith.constant 0 : i32
      %cond3A_337 = arith.cmpi ne, %convert_element_type3A_334, %cond3A_336 : i32
      scf.if %cond3A_337 {
        %dma_wait3A_624 = arith.constant 0 : i32
        %dma_wait3A_625 = arith.constant 0 : i32
        %dma_wait3A_626 = tpu.memref_slice %arg6[%cond3A_335, %dma_wait3A_624, %dma_wait3A_625] : memref<5x128x128xf32, #tpu.memory_space<vmem>> -> memref<1x128x128xf32, #tpu.memory_space<vmem>>
        %dma_wait3A_627 = tpu.memref_squeeze %dma_wait3A_626 : memref<1x128x128xf32, #tpu.memory_space<vmem>> -> memref<128x128xf32, #tpu.memory_space<vmem>>
        %dma_wait3A_628 = arith.constant 0 : i32
        %dma_wait3A_629 = tpu.memref_slice %arg4[%mul3A_331, %dma_wait3A_628] : memref<3276800x128xf32, #tpu.memory_space<hbm>> -> memref<128x128xf32, #tpu.memory_space<hbm>>
        %dma_wait3A_630 = arith.constant 0 : i32
        %dma_wait3A_631 = tpu.memref_slice %arg4[%mul3A_331, %dma_wait3A_630] : memref<3276800x128xf32, #tpu.memory_space<hbm>> -> memref<128x128xf32, #tpu.memory_space<hbm>>
        %dma_wait3A_632 = arith.constant 0 : i32
        %dma_wait3A_633 = arith.constant 0 : i32
        %dma_wait3A_634 = tpu.memref_slice %arg6[%cond3A_335, %dma_wait3A_632, %dma_wait3A_633] : memref<5x128x128xf32, #tpu.memory_space<vmem>> -> memref<1x128x128xf32, #tpu.memory_space<vmem>>
        %dma_wait3A_635 = tpu.memref_squeeze %dma_wait3A_634 : memref<1x128x128xf32, #tpu.memory_space<vmem>> -> memref<128x128xf32, #tpu.memory_space<vmem>>
        tpu.wait_dma2 semaphore(%arg18 : memref<!tpu.dma_semaphore, #tpu.memory_space<semaphore_mem>>) src(%dma_wait3A_635 : memref<128x128xf32, #tpu.memory_space<vmem>>) dst(%dma_wait3A_631 : memref<128x128xf32, #tpu.memory_space<hbm>>)
      } else {
      }
      %mul3A_338 = arith.constant 5 : i32
      %mul3A_339 = arith.muli %mul3A_338, %scan3A_113 : i32
      %jit3A_340 = arith.constant 160 : i32
      %eq3A_341 = arith.constant 0 : i32
      %eq3A_342 = arith.cmpi eq, %jit3A_340, %eq3A_341 : i32
      %jit3A_343 = arith.constant 1 : i32
      %select_n3A_344 = arith.select %eq3A_342, %jit3A_343, %jit3A_340 : i32
      %rem3A_345 = arith.remsi %mul3A_339, %select_n3A_344 : i32
      %ne3A_346 = arith.constant 0 : i32
      %ne3A_347 = arith.cmpi ne, %rem3A_345, %ne3A_346 : i32
      %lt3A_348 = arith.constant 0 : i32
      %lt3A_349 = arith.cmpi slt, %rem3A_345, %lt3A_348 : i32
      %lt3A_350 = arith.constant 0 : i32
      %lt3A_351 = arith.cmpi slt, %select_n3A_344, %lt3A_350 : i32
      %ne3A_352 = arith.xori %lt3A_349, %lt3A_351 : i1
      %and3A_353 = arith.andi %ne3A_352, %ne3A_347 : i1
      %add3A_354 = arith.addi %rem3A_345, %select_n3A_344 : i32
      %select_n3A_355 = arith.select %and3A_353, %add3A_354, %rem3A_345 : i32
      %add3A_356 = arith.constant 4 : i32
      %add3A_357 = arith.addi %select_n3A_355, %add3A_356 : i32
      %dma_start3A_358 = arith.constant 4 : i32
      %dma_start3A_359 = arith.constant 0 : i32
      %dma_start3A_360 = arith.constant 0 : i32
      %dma_start3A_361 = tpu.memref_slice %arg6[%dma_start3A_358, %dma_start3A_359, %dma_start3A_360] : memref<5x128x128xf32, #tpu.memory_space<vmem>> -> memref<1x128x128xf32, #tpu.memory_space<vmem>>
      %dma_start3A_362 = tpu.memref_squeeze %dma_start3A_361 : memref<1x128x128xf32, #tpu.memory_space<vmem>> -> memref<128x128xf32, #tpu.memory_space<vmem>>
      %dma_start3A_363 = arith.constant 0 : i32
      %dma_start3A_364 = tpu.memref_slice %arg5[%add3A_357, %dma_start3A_363] : memref<160x128xi32, #tpu.memory_space<vmem>> -> memref<1x128xi32, #tpu.memory_space<vmem>>
      %dma_start3A_365 = tpu.memref_squeeze %dma_start3A_364 : memref<1x128xi32, #tpu.memory_space<vmem>> -> memref<128xi32, #tpu.memory_space<vmem>>
      %dma_start3A_366 = arith.constant 0 : i32
      %dma_start3A_367 = arith.constant 0 : i32
      %dma_start3A_368 = tpu.memref_slice %arg7[%dma_start3A_366, %dma_start3A_367] : memref<1002x128xf32, #tpu.memory_space<vmem_shared>> -> memref<1002x128xf32, #tpu.memory_space<vmem_shared>>
      tpu.enqueue_indirect_dma source(%dma_start3A_368 : memref<1002x128xf32, #tpu.memory_space<vmem_shared>>) target(%dma_start3A_362 : memref<128x128xf32, #tpu.memory_space<vmem>>) offsets(%dma_start3A_365 : memref<128xi32, #tpu.memory_space<vmem>>) semaphore(%arg13 : memref<!tpu.dma_semaphore, #tpu.memory_space<semaphore_mem>>)
      %mul3A_369 = arith.constant 5 : i32
      %mul3A_370 = arith.muli %mul3A_369, %scan3A_113 : i32
      %add3A_371 = arith.addi %mul3A_2, %mul3A_370 : i32
      %add3A_372 = arith.constant 0 : i32
      %add3A_373 = arith.addi %add3A_371, %add3A_372 : i32
      %mul3A_374 = arith.constant 5 : i32
      %mul3A_375 = arith.muli %mul3A_374, %scan3A_113 : i32
      %jit3A_376 = arith.constant 160 : i32
      %eq3A_377 = arith.constant 0 : i32
      %eq3A_378 = arith.cmpi eq, %jit3A_376, %eq3A_377 : i32
      %jit3A_379 = arith.constant 1 : i32
      %select_n3A_380 = arith.select %eq3A_378, %jit3A_379, %jit3A_376 : i32
      %rem3A_381 = arith.remsi %mul3A_375, %select_n3A_380 : i32
      %ne3A_382 = arith.constant 0 : i32
      %ne3A_383 = arith.cmpi ne, %rem3A_381, %ne3A_382 : i32
      %lt3A_384 = arith.constant 0 : i32
      %lt3A_385 = arith.cmpi slt, %rem3A_381, %lt3A_384 : i32
      %lt3A_386 = arith.constant 0 : i32
      %lt3A_387 = arith.cmpi slt, %select_n3A_380, %lt3A_386 : i32
      %ne3A_388 = arith.xori %lt3A_385, %lt3A_387 : i1
      %and3A_389 = arith.andi %ne3A_388, %ne3A_383 : i1
      %add3A_390 = arith.addi %rem3A_381, %select_n3A_380 : i32
      %select_n3A_391 = arith.select %and3A_389, %add3A_390, %rem3A_381 : i32
      %add3A_392 = arith.constant 0 : i32
      %add3A_393 = arith.addi %select_n3A_391, %add3A_392 : i32
      %dma_wait3A_394 = arith.constant 0 : i32
      %dma_wait3A_395 = arith.constant 0 : i32
      %dma_wait3A_396 = arith.constant 0 : i32
      %dma_wait3A_397 = tpu.memref_slice %arg6[%dma_wait3A_394, %dma_wait3A_395, %dma_wait3A_396] : memref<5x128x128xf32, #tpu.memory_space<vmem>> -> memref<1x128x128xf32, #tpu.memory_space<vmem>>
      %dma_wait3A_398 = tpu.memref_squeeze %dma_wait3A_397 : memref<1x128x128xf32, #tpu.memory_space<vmem>> -> memref<128x128xf32, #tpu.memory_space<vmem>>
      %dma_wait3A_399 = arith.constant 0 : i32
      %dma_wait3A_400 = tpu.memref_slice %arg5[%add3A_393, %dma_wait3A_399] : memref<160x128xi32, #tpu.memory_space<vmem>> -> memref<1x128xi32, #tpu.memory_space<vmem>>
      %dma_wait3A_401 = tpu.memref_squeeze %dma_wait3A_400 : memref<1x128xi32, #tpu.memory_space<vmem>> -> memref<128xi32, #tpu.memory_space<vmem>>
      %dma_wait3A_402 = arith.constant 0 : i32
      %dma_wait3A_403 = arith.constant 0 : i32
      %dma_wait3A_404 = tpu.memref_slice %arg7[%dma_wait3A_402, %dma_wait3A_403] : memref<1002x128xf32, #tpu.memory_space<vmem_shared>> -> memref<1002x128xf32, #tpu.memory_space<vmem_shared>>
      tpu.wait_indirect_dma semaphore(%arg9 : memref<!tpu.dma_semaphore, #tpu.memory_space<semaphore_mem>>) src(%dma_wait3A_404 : memref<1002x128xf32, #tpu.memory_space<vmem_shared>>) dst(%dma_wait3A_398 : memref<128x128xf32, #tpu.memory_space<vmem>>)
      %mul3A_405 = arith.constant 128 : i32
      %mul3A_406 = arith.muli %add3A_373, %mul3A_405 : i32
      %dma_start3A_407 = arith.constant 0 : i32
      %dma_start3A_408 = arith.constant 0 : i32
      %dma_start3A_409 = arith.constant 0 : i32
      %dma_start3A_410 = tpu.memref_slice %arg6[%dma_start3A_407, %dma_start3A_408, %dma_start3A_409] : memref<5x128x128xf32, #tpu.memory_space<vmem>> -> memref<1x128x128xf32, #tpu.memory_space<vmem>>
      %dma_start3A_411 = tpu.memref_squeeze %dma_start3A_410 : memref<1x128x128xf32, #tpu.memory_space<vmem>> -> memref<128x128xf32, #tpu.memory_space<vmem>>
      %dma_start3A_412 = arith.constant 0 : i32
      %dma_start3A_413 = tpu.memref_slice %arg4[%mul3A_406, %dma_start3A_412] : memref<3276800x128xf32, #tpu.memory_space<hbm>> -> memref<128x128xf32, #tpu.memory_space<hbm>>
      %dma_start3A_414 = arith.constant 0 : i32
      %dma_start3A_415 = tpu.memref_slice %arg4[%mul3A_406, %dma_start3A_414] : memref<3276800x128xf32, #tpu.memory_space<hbm>> -> memref<128x128xf32, #tpu.memory_space<hbm>>
      %dma_start3A_416 = arith.constant 0 : i32
      %dma_start3A_417 = arith.constant 0 : i32
      %dma_start3A_418 = tpu.memref_slice %arg6[%dma_start3A_407, %dma_start3A_416, %dma_start3A_417] : memref<5x128x128xf32, #tpu.memory_space<vmem>> -> memref<1x128x128xf32, #tpu.memory_space<vmem>>
      %dma_start3A_419 = tpu.memref_squeeze %dma_start3A_418 : memref<1x128x128xf32, #tpu.memory_space<vmem>> -> memref<128x128xf32, #tpu.memory_space<vmem>>
      tpu.enqueue_dma source(%dma_start3A_419 : memref<128x128xf32, #tpu.memory_space<vmem>>) target(%dma_start3A_415 : memref<128x128xf32, #tpu.memory_space<hbm>>) target_semaphore(%arg14 : memref<!tpu.dma_semaphore, #tpu.memory_space<semaphore_mem>>)
      %mul3A_420 = arith.constant 5 : i32
      %mul3A_421 = arith.muli %mul3A_420, %scan3A_113 : i32
      %add3A_422 = arith.addi %mul3A_2, %mul3A_421 : i32
      %add3A_423 = arith.constant 1 : i32
      %add3A_424 = arith.addi %add3A_422, %add3A_423 : i32
      %mul3A_425 = arith.constant 5 : i32
      %mul3A_426 = arith.muli %mul3A_425, %scan3A_113 : i32
      %jit3A_427 = arith.constant 160 : i32
      %eq3A_428 = arith.constant 0 : i32
      %eq3A_429 = arith.cmpi eq, %jit3A_427, %eq3A_428 : i32
      %jit3A_430 = arith.constant 1 : i32
      %select_n3A_431 = arith.select %eq3A_429, %jit3A_430, %jit3A_427 : i32
      %rem3A_432 = arith.remsi %mul3A_426, %select_n3A_431 : i32
      %ne3A_433 = arith.constant 0 : i32
      %ne3A_434 = arith.cmpi ne, %rem3A_432, %ne3A_433 : i32
      %lt3A_435 = arith.constant 0 : i32
      %lt3A_436 = arith.cmpi slt, %rem3A_432, %lt3A_435 : i32
      %lt3A_437 = arith.constant 0 : i32
      %lt3A_438 = arith.cmpi slt, %select_n3A_431, %lt3A_437 : i32
      %ne3A_439 = arith.xori %lt3A_436, %lt3A_438 : i1
      %and3A_440 = arith.andi %ne3A_439, %ne3A_434 : i1
      %add3A_441 = arith.addi %rem3A_432, %select_n3A_431 : i32
      %select_n3A_442 = arith.select %and3A_440, %add3A_441, %rem3A_432 : i32
      %add3A_443 = arith.constant 1 : i32
      %add3A_444 = arith.addi %select_n3A_442, %add3A_443 : i32
      %dma_wait3A_445 = arith.constant 1 : i32
      %dma_wait3A_446 = arith.constant 0 : i32
      %dma_wait3A_447 = arith.constant 0 : i32
      %dma_wait3A_448 = tpu.memref_slice %arg6[%dma_wait3A_445, %dma_wait3A_446, %dma_wait3A_447] : memref<5x128x128xf32, #tpu.memory_space<vmem>> -> memref<1x128x128xf32, #tpu.memory_space<vmem>>
      %dma_wait3A_449 = tpu.memref_squeeze %dma_wait3A_448 : memref<1x128x128xf32, #tpu.memory_space<vmem>> -> memref<128x128xf32, #tpu.memory_space<vmem>>
      %dma_wait3A_450 = arith.constant 0 : i32
      %dma_wait3A_451 = tpu.memref_slice %arg5[%add3A_444, %dma_wait3A_450] : memref<160x128xi32, #tpu.memory_space<vmem>> -> memref<1x128xi32, #tpu.memory_space<vmem>>
      %dma_wait3A_452 = tpu.memref_squeeze %dma_wait3A_451 : memref<1x128xi32, #tpu.memory_space<vmem>> -> memref<128xi32, #tpu.memory_space<vmem>>
      %dma_wait3A_453 = arith.constant 0 : i32
      %dma_wait3A_454 = arith.constant 0 : i32
      %dma_wait3A_455 = tpu.memref_slice %arg7[%dma_wait3A_453, %dma_wait3A_454] : memref<1002x128xf32, #tpu.memory_space<vmem_shared>> -> memref<1002x128xf32, #tpu.memory_space<vmem_shared>>
      tpu.wait_indirect_dma semaphore(%arg10 : memref<!tpu.dma_semaphore, #tpu.memory_space<semaphore_mem>>) src(%dma_wait3A_455 : memref<1002x128xf32, #tpu.memory_space<vmem_shared>>) dst(%dma_wait3A_449 : memref<128x128xf32, #tpu.memory_space<vmem>>)
      %mul3A_456 = arith.constant 128 : i32
      %mul3A_457 = arith.muli %add3A_424, %mul3A_456 : i32
      %dma_start3A_458 = arith.constant 1 : i32
      %dma_start3A_459 = arith.constant 0 : i32
      %dma_start3A_460 = arith.constant 0 : i32
      %dma_start3A_461 = tpu.memref_slice %arg6[%dma_start3A_458, %dma_start3A_459, %dma_start3A_460] : memref<5x128x128xf32, #tpu.memory_space<vmem>> -> memref<1x128x128xf32, #tpu.memory_space<vmem>>
      %dma_start3A_462 = tpu.memref_squeeze %dma_start3A_461 : memref<1x128x128xf32, #tpu.memory_space<vmem>> -> memref<128x128xf32, #tpu.memory_space<vmem>>
      %dma_start3A_463 = arith.constant 0 : i32
      %dma_start3A_464 = tpu.memref_slice %arg4[%mul3A_457, %dma_start3A_463] : memref<3276800x128xf32, #tpu.memory_space<hbm>> -> memref<128x128xf32, #tpu.memory_space<hbm>>
      %dma_start3A_465 = arith.constant 0 : i32
      %dma_start3A_466 = tpu.memref_slice %arg4[%mul3A_457, %dma_start3A_465] : memref<3276800x128xf32, #tpu.memory_space<hbm>> -> memref<128x128xf32, #tpu.memory_space<hbm>>
      %dma_start3A_467 = arith.constant 0 : i32
      %dma_start3A_468 = arith.constant 0 : i32
      %dma_start3A_469 = tpu.memref_slice %arg6[%dma_start3A_458, %dma_start3A_467, %dma_start3A_468] : memref<5x128x128xf32, #tpu.memory_space<vmem>> -> memref<1x128x128xf32, #tpu.memory_space<vmem>>
      %dma_start3A_470 = tpu.memref_squeeze %dma_start3A_469 : memref<1x128x128xf32, #tpu.memory_space<vmem>> -> memref<128x128xf32, #tpu.memory_space<vmem>>
      tpu.enqueue_dma source(%dma_start3A_470 : memref<128x128xf32, #tpu.memory_space<vmem>>) target(%dma_start3A_466 : memref<128x128xf32, #tpu.memory_space<hbm>>) target_semaphore(%arg15 : memref<!tpu.dma_semaphore, #tpu.memory_space<semaphore_mem>>)
      %mul3A_471 = arith.constant 5 : i32
      %mul3A_472 = arith.muli %mul3A_471, %scan3A_113 : i32
      %add3A_473 = arith.addi %mul3A_2, %mul3A_472 : i32
      %add3A_474 = arith.constant 2 : i32
      %add3A_475 = arith.addi %add3A_473, %add3A_474 : i32
      %mul3A_476 = arith.constant 5 : i32
      %mul3A_477 = arith.muli %mul3A_476, %scan3A_113 : i32
      %jit3A_478 = arith.constant 160 : i32
      %eq3A_479 = arith.constant 0 : i32
      %eq3A_480 = arith.cmpi eq, %jit3A_478, %eq3A_479 : i32
      %jit3A_481 = arith.constant 1 : i32
      %select_n3A_482 = arith.select %eq3A_480, %jit3A_481, %jit3A_478 : i32
      %rem3A_483 = arith.remsi %mul3A_477, %select_n3A_482 : i32
      %ne3A_484 = arith.constant 0 : i32
      %ne3A_485 = arith.cmpi ne, %rem3A_483, %ne3A_484 : i32
      %lt3A_486 = arith.constant 0 : i32
      %lt3A_487 = arith.cmpi slt, %rem3A_483, %lt3A_486 : i32
      %lt3A_488 = arith.constant 0 : i32
      %lt3A_489 = arith.cmpi slt, %select_n3A_482, %lt3A_488 : i32
      %ne3A_490 = arith.xori %lt3A_487, %lt3A_489 : i1
      %and3A_491 = arith.andi %ne3A_490, %ne3A_485 : i1
      %add3A_492 = arith.addi %rem3A_483, %select_n3A_482 : i32
      %select_n3A_493 = arith.select %and3A_491, %add3A_492, %rem3A_483 : i32
      %add3A_494 = arith.constant 2 : i32
      %add3A_495 = arith.addi %select_n3A_493, %add3A_494 : i32
      %dma_wait3A_496 = arith.constant 2 : i32
      %dma_wait3A_497 = arith.constant 0 : i32
      %dma_wait3A_498 = arith.constant 0 : i32
      %dma_wait3A_499 = tpu.memref_slice %arg6[%dma_wait3A_496, %dma_wait3A_497, %dma_wait3A_498] : memref<5x128x128xf32, #tpu.memory_space<vmem>> -> memref<1x128x128xf32, #tpu.memory_space<vmem>>
      %dma_wait3A_500 = tpu.memref_squeeze %dma_wait3A_499 : memref<1x128x128xf32, #tpu.memory_space<vmem>> -> memref<128x128xf32, #tpu.memory_space<vmem>>
      %dma_wait3A_501 = arith.constant 0 : i32
      %dma_wait3A_502 = tpu.memref_slice %arg5[%add3A_495, %dma_wait3A_501] : memref<160x128xi32, #tpu.memory_space<vmem>> -> memref<1x128xi32, #tpu.memory_space<vmem>>
      %dma_wait3A_503 = tpu.memref_squeeze %dma_wait3A_502 : memref<1x128xi32, #tpu.memory_space<vmem>> -> memref<128xi32, #tpu.memory_space<vmem>>
      %dma_wait3A_504 = arith.constant 0 : i32
      %dma_wait3A_505 = arith.constant 0 : i32
      %dma_wait3A_506 = tpu.memref_slice %arg7[%dma_wait3A_504, %dma_wait3A_505] : memref<1002x128xf32, #tpu.memory_space<vmem_shared>> -> memref<1002x128xf32, #tpu.memory_space<vmem_shared>>
      tpu.wait_indirect_dma semaphore(%arg11 : memref<!tpu.dma_semaphore, #tpu.memory_space<semaphore_mem>>) src(%dma_wait3A_506 : memref<1002x128xf32, #tpu.memory_space<vmem_shared>>) dst(%dma_wait3A_500 : memref<128x128xf32, #tpu.memory_space<vmem>>)
      %mul3A_507 = arith.constant 128 : i32
      %mul3A_508 = arith.muli %add3A_475, %mul3A_507 : i32
      %dma_start3A_509 = arith.constant 2 : i32
      %dma_start3A_510 = arith.constant 0 : i32
      %dma_start3A_511 = arith.constant 0 : i32
      %dma_start3A_512 = tpu.memref_slice %arg6[%dma_start3A_509, %dma_start3A_510, %dma_start3A_511] : memref<5x128x128xf32, #tpu.memory_space<vmem>> -> memref<1x128x128xf32, #tpu.memory_space<vmem>>
      %dma_start3A_513 = tpu.memref_squeeze %dma_start3A_512 : memref<1x128x128xf32, #tpu.memory_space<vmem>> -> memref<128x128xf32, #tpu.memory_space<vmem>>
      %dma_start3A_514 = arith.constant 0 : i32
      %dma_start3A_515 = tpu.memref_slice %arg4[%mul3A_508, %dma_start3A_514] : memref<3276800x128xf32, #tpu.memory_space<hbm>> -> memref<128x128xf32, #tpu.memory_space<hbm>>
      %dma_start3A_516 = arith.constant 0 : i32
      %dma_start3A_517 = tpu.memref_slice %arg4[%mul3A_508, %dma_start3A_516] : memref<3276800x128xf32, #tpu.memory_space<hbm>> -> memref<128x128xf32, #tpu.memory_space<hbm>>
      %dma_start3A_518 = arith.constant 0 : i32
      %dma_start3A_519 = arith.constant 0 : i32
      %dma_start3A_520 = tpu.memref_slice %arg6[%dma_start3A_509, %dma_start3A_518, %dma_start3A_519] : memref<5x128x128xf32, #tpu.memory_space<vmem>> -> memref<1x128x128xf32, #tpu.memory_space<vmem>>
      %dma_start3A_521 = tpu.memref_squeeze %dma_start3A_520 : memref<1x128x128xf32, #tpu.memory_space<vmem>> -> memref<128x128xf32, #tpu.memory_space<vmem>>
      tpu.enqueue_dma source(%dma_start3A_521 : memref<128x128xf32, #tpu.memory_space<vmem>>) target(%dma_start3A_517 : memref<128x128xf32, #tpu.memory_space<hbm>>) target_semaphore(%arg16 : memref<!tpu.dma_semaphore, #tpu.memory_space<semaphore_mem>>)
      %mul3A_522 = arith.constant 5 : i32
      %mul3A_523 = arith.muli %mul3A_522, %scan3A_113 : i32
      %add3A_524 = arith.addi %mul3A_2, %mul3A_523 : i32
      %add3A_525 = arith.constant 3 : i32
      %add3A_526 = arith.addi %add3A_524, %add3A_525 : i32
      %mul3A_527 = arith.constant 5 : i32
      %mul3A_528 = arith.muli %mul3A_527, %scan3A_113 : i32
      %jit3A_529 = arith.constant 160 : i32
      %eq3A_530 = arith.constant 0 : i32
      %eq3A_531 = arith.cmpi eq, %jit3A_529, %eq3A_530 : i32
      %jit3A_532 = arith.constant 1 : i32
      %select_n3A_533 = arith.select %eq3A_531, %jit3A_532, %jit3A_529 : i32
      %rem3A_534 = arith.remsi %mul3A_528, %select_n3A_533 : i32
      %ne3A_535 = arith.constant 0 : i32
      %ne3A_536 = arith.cmpi ne, %rem3A_534, %ne3A_535 : i32
      %lt3A_537 = arith.constant 0 : i32
      %lt3A_538 = arith.cmpi slt, %rem3A_534, %lt3A_537 : i32
      %lt3A_539 = arith.constant 0 : i32
      %lt3A_540 = arith.cmpi slt, %select_n3A_533, %lt3A_539 : i32
      %ne3A_541 = arith.xori %lt3A_538, %lt3A_540 : i1
      %and3A_542 = arith.andi %ne3A_541, %ne3A_536 : i1
      %add3A_543 = arith.addi %rem3A_534, %select_n3A_533 : i32
      %select_n3A_544 = arith.select %and3A_542, %add3A_543, %rem3A_534 : i32
      %add3A_545 = arith.constant 3 : i32
      %add3A_546 = arith.addi %select_n3A_544, %add3A_545 : i32
      %dma_wait3A_547 = arith.constant 3 : i32
      %dma_wait3A_548 = arith.constant 0 : i32
      %dma_wait3A_549 = arith.constant 0 : i32
      %dma_wait3A_550 = tpu.memref_slice %arg6[%dma_wait3A_547, %dma_wait3A_548, %dma_wait3A_549] : memref<5x128x128xf32, #tpu.memory_space<vmem>> -> memref<1x128x128xf32, #tpu.memory_space<vmem>>
      %dma_wait3A_551 = tpu.memref_squeeze %dma_wait3A_550 : memref<1x128x128xf32, #tpu.memory_space<vmem>> -> memref<128x128xf32, #tpu.memory_space<vmem>>
      %dma_wait3A_552 = arith.constant 0 : i32
      %dma_wait3A_553 = tpu.memref_slice %arg5[%add3A_546, %dma_wait3A_552] : memref<160x128xi32, #tpu.memory_space<vmem>> -> memref<1x128xi32, #tpu.memory_space<vmem>>
      %dma_wait3A_554 = tpu.memref_squeeze %dma_wait3A_553 : memref<1x128xi32, #tpu.memory_space<vmem>> -> memref<128xi32, #tpu.memory_space<vmem>>
      %dma_wait3A_555 = arith.constant 0 : i32
      %dma_wait3A_556 = arith.constant 0 : i32
      %dma_wait3A_557 = tpu.memref_slice %arg7[%dma_wait3A_555, %dma_wait3A_556] : memref<1002x128xf32, #tpu.memory_space<vmem_shared>> -> memref<1002x128xf32, #tpu.memory_space<vmem_shared>>
      tpu.wait_indirect_dma semaphore(%arg12 : memref<!tpu.dma_semaphore, #tpu.memory_space<semaphore_mem>>) src(%dma_wait3A_557 : memref<1002x128xf32, #tpu.memory_space<vmem_shared>>) dst(%dma_wait3A_551 : memref<128x128xf32, #tpu.memory_space<vmem>>)
      %mul3A_558 = arith.constant 128 : i32
      %mul3A_559 = arith.muli %add3A_526, %mul3A_558 : i32
      %dma_start3A_560 = arith.constant 3 : i32
      %dma_start3A_561 = arith.constant 0 : i32
      %dma_start3A_562 = arith.constant 0 : i32
      %dma_start3A_563 = tpu.memref_slice %arg6[%dma_start3A_560, %dma_start3A_561, %dma_start3A_562] : memref<5x128x128xf32, #tpu.memory_space<vmem>> -> memref<1x128x128xf32, #tpu.memory_space<vmem>>
      %dma_start3A_564 = tpu.memref_squeeze %dma_start3A_563 : memref<1x128x128xf32, #tpu.memory_space<vmem>> -> memref<128x128xf32, #tpu.memory_space<vmem>>
      %dma_start3A_565 = arith.constant 0 : i32
      %dma_start3A_566 = tpu.memref_slice %arg4[%mul3A_559, %dma_start3A_565] : memref<3276800x128xf32, #tpu.memory_space<hbm>> -> memref<128x128xf32, #tpu.memory_space<hbm>>
      %dma_start3A_567 = arith.constant 0 : i32
      %dma_start3A_568 = tpu.memref_slice %arg4[%mul3A_559, %dma_start3A_567] : memref<3276800x128xf32, #tpu.memory_space<hbm>> -> memref<128x128xf32, #tpu.memory_space<hbm>>
      %dma_start3A_569 = arith.constant 0 : i32
      %dma_start3A_570 = arith.constant 0 : i32
      %dma_start3A_571 = tpu.memref_slice %arg6[%dma_start3A_560, %dma_start3A_569, %dma_start3A_570] : memref<5x128x128xf32, #tpu.memory_space<vmem>> -> memref<1x128x128xf32, #tpu.memory_space<vmem>>
      %dma_start3A_572 = tpu.memref_squeeze %dma_start3A_571 : memref<1x128x128xf32, #tpu.memory_space<vmem>> -> memref<128x128xf32, #tpu.memory_space<vmem>>
      tpu.enqueue_dma source(%dma_start3A_572 : memref<128x128xf32, #tpu.memory_space<vmem>>) target(%dma_start3A_568 : memref<128x128xf32, #tpu.memory_space<hbm>>) target_semaphore(%arg17 : memref<!tpu.dma_semaphore, #tpu.memory_space<semaphore_mem>>)
      %mul3A_573 = arith.constant 5 : i32
      %mul3A_574 = arith.muli %mul3A_573, %scan3A_113 : i32
      %add3A_575 = arith.addi %mul3A_2, %mul3A_574 : i32
      %add3A_576 = arith.constant 4 : i32
      %add3A_577 = arith.addi %add3A_575, %add3A_576 : i32
      %mul3A_578 = arith.constant 5 : i32
      %mul3A_579 = arith.muli %mul3A_578, %scan3A_113 : i32
      %jit3A_580 = arith.constant 160 : i32
      %eq3A_581 = arith.constant 0 : i32
      %eq3A_582 = arith.cmpi eq, %jit3A_580, %eq3A_581 : i32
      %jit3A_583 = arith.constant 1 : i32
      %select_n3A_584 = arith.select %eq3A_582, %jit3A_583, %jit3A_580 : i32
      %rem3A_585 = arith.remsi %mul3A_579, %select_n3A_584 : i32
      %ne3A_586 = arith.constant 0 : i32
      %ne3A_587 = arith.cmpi ne, %rem3A_585, %ne3A_586 : i32
      %lt3A_588 = arith.constant 0 : i32
      %lt3A_589 = arith.cmpi slt, %rem3A_585, %lt3A_588 : i32
      %lt3A_590 = arith.constant 0 : i32
      %lt3A_591 = arith.cmpi slt, %select_n3A_584, %lt3A_590 : i32
      %ne3A_592 = arith.xori %lt3A_589, %lt3A_591 : i1
      %and3A_593 = arith.andi %ne3A_592, %ne3A_587 : i1
      %add3A_594 = arith.addi %rem3A_585, %select_n3A_584 : i32
      %select_n3A_595 = arith.select %and3A_593, %add3A_594, %rem3A_585 : i32
      %add3A_596 = arith.constant 4 : i32
      %add3A_597 = arith.addi %select_n3A_595, %add3A_596 : i32
      %dma_wait3A_598 = arith.constant 4 : i32
      %dma_wait3A_599 = arith.constant 0 : i32
      %dma_wait3A_600 = arith.constant 0 : i32
      %dma_wait3A_601 = tpu.memref_slice %arg6[%dma_wait3A_598, %dma_wait3A_599, %dma_wait3A_600] : memref<5x128x128xf32, #tpu.memory_space<vmem>> -> memref<1x128x128xf32, #tpu.memory_space<vmem>>
      %dma_wait3A_602 = tpu.memref_squeeze %dma_wait3A_601 : memref<1x128x128xf32, #tpu.memory_space<vmem>> -> memref<128x128xf32, #tpu.memory_space<vmem>>
      %dma_wait3A_603 = arith.constant 0 : i32
      %dma_wait3A_604 = tpu.memref_slice %arg5[%add3A_597, %dma_wait3A_603] : memref<160x128xi32, #tpu.memory_space<vmem>> -> memref<1x128xi32, #tpu.memory_space<vmem>>
      %dma_wait3A_605 = tpu.memref_squeeze %dma_wait3A_604 : memref<1x128xi32, #tpu.memory_space<vmem>> -> memref<128xi32, #tpu.memory_space<vmem>>
      %dma_wait3A_606 = arith.constant 0 : i32
      %dma_wait3A_607 = arith.constant 0 : i32
      %dma_wait3A_608 = tpu.memref_slice %arg7[%dma_wait3A_606, %dma_wait3A_607] : memref<1002x128xf32, #tpu.memory_space<vmem_shared>> -> memref<1002x128xf32, #tpu.memory_space<vmem_shared>>
      tpu.wait_indirect_dma semaphore(%arg13 : memref<!tpu.dma_semaphore, #tpu.memory_space<semaphore_mem>>) src(%dma_wait3A_608 : memref<1002x128xf32, #tpu.memory_space<vmem_shared>>) dst(%dma_wait3A_602 : memref<128x128xf32, #tpu.memory_space<vmem>>)
      %mul3A_609 = arith.constant 128 : i32
      %mul3A_610 = arith.muli %add3A_577, %mul3A_609 : i32
      %dma_start3A_611 = arith.constant 4 : i32
      %dma_start3A_612 = arith.constant 0 : i32
      %dma_start3A_613 = arith.constant 0 : i32
      %dma_start3A_614 = tpu.memref_slice %arg6[%dma_start3A_611, %dma_start3A_612, %dma_start3A_613] : memref<5x128x128xf32, #tpu.memory_space<vmem>> -> memref<1x128x128xf32, #tpu.memory_space<vmem>>
      %dma_start3A_615 = tpu.memref_squeeze %dma_start3A_614 : memref<1x128x128xf32, #tpu.memory_space<vmem>> -> memref<128x128xf32, #tpu.memory_space<vmem>>
      %dma_start3A_616 = arith.constant 0 : i32
      %dma_start3A_617 = tpu.memref_slice %arg4[%mul3A_610, %dma_start3A_616] : memref<3276800x128xf32, #tpu.memory_space<hbm>> -> memref<128x128xf32, #tpu.memory_space<hbm>>
      %dma_start3A_618 = arith.constant 0 : i32
      %dma_start3A_619 = tpu.memref_slice %arg4[%mul3A_610, %dma_start3A_618] : memref<3276800x128xf32, #tpu.memory_space<hbm>> -> memref<128x128xf32, #tpu.memory_space<hbm>>
      %dma_start3A_620 = arith.constant 0 : i32
      %dma_start3A_621 = arith.constant 0 : i32
      %dma_start3A_622 = tpu.memref_slice %arg6[%dma_start3A_611, %dma_start3A_620, %dma_start3A_621] : memref<5x128x128xf32, #tpu.memory_space<vmem>> -> memref<1x128x128xf32, #tpu.memory_space<vmem>>
      %dma_start3A_623 = tpu.memref_squeeze %dma_start3A_622 : memref<1x128x128xf32, #tpu.memory_space<vmem>> -> memref<128x128xf32, #tpu.memory_space<vmem>>
      tpu.enqueue_dma source(%dma_start3A_623 : memref<128x128xf32, #tpu.memory_space<vmem>>) target(%dma_start3A_619 : memref<128x128xf32, #tpu.memory_space<hbm>>) target_semaphore(%arg18 : memref<!tpu.dma_semaphore, #tpu.memory_space<semaphore_mem>>)
    }
    %scan3A_18 = arith.constant 160 : i32
    %add3A_19 = arith.constant 795 : i32
    %add3A_20 = arith.addi %mul3A_2, %add3A_19 : i32
    %add3A_21 = arith.constant 0 : i32
    %add3A_22 = arith.addi %add3A_20, %add3A_21 : i32
    %mul3A_23 = arith.constant 128 : i32
    %mul3A_24 = arith.muli %add3A_22, %mul3A_23 : i32
    %dma_wait3A = arith.constant 0 : i32
    %dma_wait3A_25 = arith.constant 0 : i32
    %dma_wait3A_26 = arith.constant 0 : i32
    %dma_wait3A_27 = tpu.memref_slice %arg6[%dma_wait3A, %dma_wait3A_25, %dma_wait3A_26] : memref<5x128x128xf32, #tpu.memory_space<vmem>> -> memref<1x128x128xf32, #tpu.memory_space<vmem>>
    %dma_wait3A_28 = tpu.memref_squeeze %dma_wait3A_27 : memref<1x128x128xf32, #tpu.memory_space<vmem>> -> memref<128x128xf32, #tpu.memory_space<vmem>>
    %dma_wait3A_29 = arith.constant 0 : i32
    %dma_wait3A_30 = tpu.memref_slice %arg4[%mul3A_24, %dma_wait3A_29] : memref<3276800x128xf32, #tpu.memory_space<hbm>> -> memref<128x128xf32, #tpu.memory_space<hbm>>
    %dma_wait3A_31 = arith.constant 0 : i32
    %dma_wait3A_32 = tpu.memref_slice %arg4[%mul3A_24, %dma_wait3A_31] : memref<3276800x128xf32, #tpu.memory_space<hbm>> -> memref<128x128xf32, #tpu.memory_space<hbm>>
    %dma_wait3A_33 = arith.constant 0 : i32
    %dma_wait3A_34 = arith.constant 0 : i32
    %dma_wait3A_35 = tpu.memref_slice %arg6[%dma_wait3A, %dma_wait3A_33, %dma_wait3A_34] : memref<5x128x128xf32, #tpu.memory_space<vmem>> -> memref<1x128x128xf32, #tpu.memory_space<vmem>>
    %dma_wait3A_36 = tpu.memref_squeeze %dma_wait3A_35 : memref<1x128x128xf32, #tpu.memory_space<vmem>> -> memref<128x128xf32, #tpu.memory_space<vmem>>
    tpu.wait_dma2 semaphore(%arg14 : memref<!tpu.dma_semaphore, #tpu.memory_space<semaphore_mem>>) src(%dma_wait3A_36 : memref<128x128xf32, #tpu.memory_space<vmem>>) dst(%dma_wait3A_32 : memref<128x128xf32, #tpu.memory_space<hbm>>)
    %add3A_37 = arith.constant 795 : i32
    %add3A_38 = arith.addi %mul3A_2, %add3A_37 : i32
    %add3A_39 = arith.constant 1 : i32
    %add3A_40 = arith.addi %add3A_38, %add3A_39 : i32
    %mul3A_41 = arith.constant 128 : i32
    %mul3A_42 = arith.muli %add3A_40, %mul3A_41 : i32
    %dma_wait3A_43 = arith.constant 1 : i32
    %dma_wait3A_44 = arith.constant 0 : i32
    %dma_wait3A_45 = arith.constant 0 : i32
    %dma_wait3A_46 = tpu.memref_slice %arg6[%dma_wait3A_43, %dma_wait3A_44, %dma_wait3A_45] : memref<5x128x128xf32, #tpu.memory_space<vmem>> -> memref<1x128x128xf32, #tpu.memory_space<vmem>>
    %dma_wait3A_47 = tpu.memref_squeeze %dma_wait3A_46 : memref<1x128x128xf32, #tpu.memory_space<vmem>> -> memref<128x128xf32, #tpu.memory_space<vmem>>
    %dma_wait3A_48 = arith.constant 0 : i32
    %dma_wait3A_49 = tpu.memref_slice %arg4[%mul3A_42, %dma_wait3A_48] : memref<3276800x128xf32, #tpu.memory_space<hbm>> -> memref<128x128xf32, #tpu.memory_space<hbm>>
    %dma_wait3A_50 = arith.constant 0 : i32
    %dma_wait3A_51 = tpu.memref_slice %arg4[%mul3A_42, %dma_wait3A_50] : memref<3276800x128xf32, #tpu.memory_space<hbm>> -> memref<128x128xf32, #tpu.memory_space<hbm>>
    %dma_wait3A_52 = arith.constant 0 : i32
    %dma_wait3A_53 = arith.constant 0 : i32
    %dma_wait3A_54 = tpu.memref_slice %arg6[%dma_wait3A_43, %dma_wait3A_52, %dma_wait3A_53] : memref<5x128x128xf32, #tpu.memory_space<vmem>> -> memref<1x128x128xf32, #tpu.memory_space<vmem>>
    %dma_wait3A_55 = tpu.memref_squeeze %dma_wait3A_54 : memref<1x128x128xf32, #tpu.memory_space<vmem>> -> memref<128x128xf32, #tpu.memory_space<vmem>>
    tpu.wait_dma2 semaphore(%arg15 : memref<!tpu.dma_semaphore, #tpu.memory_space<semaphore_mem>>) src(%dma_wait3A_55 : memref<128x128xf32, #tpu.memory_space<vmem>>) dst(%dma_wait3A_51 : memref<128x128xf32, #tpu.memory_space<hbm>>)
    %add3A_56 = arith.constant 795 : i32
    %add3A_57 = arith.addi %mul3A_2, %add3A_56 : i32
    %add3A_58 = arith.constant 2 : i32
    %add3A_59 = arith.addi %add3A_57, %add3A_58 : i32
    %mul3A_60 = arith.constant 128 : i32
    %mul3A_61 = arith.muli %add3A_59, %mul3A_60 : i32
    %dma_wait3A_62 = arith.constant 2 : i32
    %dma_wait3A_63 = arith.constant 0 : i32
    %dma_wait3A_64 = arith.constant 0 : i32
    %dma_wait3A_65 = tpu.memref_slice %arg6[%dma_wait3A_62, %dma_wait3A_63, %dma_wait3A_64] : memref<5x128x128xf32, #tpu.memory_space<vmem>> -> memref<1x128x128xf32, #tpu.memory_space<vmem>>
    %dma_wait3A_66 = tpu.memref_squeeze %dma_wait3A_65 : memref<1x128x128xf32, #tpu.memory_space<vmem>> -> memref<128x128xf32, #tpu.memory_space<vmem>>
    %dma_wait3A_67 = arith.constant 0 : i32
    %dma_wait3A_68 = tpu.memref_slice %arg4[%mul3A_61, %dma_wait3A_67] : memref<3276800x128xf32, #tpu.memory_space<hbm>> -> memref<128x128xf32, #tpu.memory_space<hbm>>
    %dma_wait3A_69 = arith.constant 0 : i32
    %dma_wait3A_70 = tpu.memref_slice %arg4[%mul3A_61, %dma_wait3A_69] : memref<3276800x128xf32, #tpu.memory_space<hbm>> -> memref<128x128xf32, #tpu.memory_space<hbm>>
    %dma_wait3A_71 = arith.constant 0 : i32
    %dma_wait3A_72 = arith.constant 0 : i32
    %dma_wait3A_73 = tpu.memref_slice %arg6[%dma_wait3A_62, %dma_wait3A_71, %dma_wait3A_72] : memref<5x128x128xf32, #tpu.memory_space<vmem>> -> memref<1x128x128xf32, #tpu.memory_space<vmem>>
    %dma_wait3A_74 = tpu.memref_squeeze %dma_wait3A_73 : memref<1x128x128xf32, #tpu.memory_space<vmem>> -> memref<128x128xf32, #tpu.memory_space<vmem>>
    tpu.wait_dma2 semaphore(%arg16 : memref<!tpu.dma_semaphore, #tpu.memory_space<semaphore_mem>>) src(%dma_wait3A_74 : memref<128x128xf32, #tpu.memory_space<vmem>>) dst(%dma_wait3A_70 : memref<128x128xf32, #tpu.memory_space<hbm>>)
    %add3A_75 = arith.constant 795 : i32
    %add3A_76 = arith.addi %mul3A_2, %add3A_75 : i32
    %add3A_77 = arith.constant 3 : i32
    %add3A_78 = arith.addi %add3A_76, %add3A_77 : i32
    %mul3A_79 = arith.constant 128 : i32
    %mul3A_80 = arith.muli %add3A_78, %mul3A_79 : i32
    %dma_wait3A_81 = arith.constant 3 : i32
    %dma_wait3A_82 = arith.constant 0 : i32
    %dma_wait3A_83 = arith.constant 0 : i32
    %dma_wait3A_84 = tpu.memref_slice %arg6[%dma_wait3A_81, %dma_wait3A_82, %dma_wait3A_83] : memref<5x128x128xf32, #tpu.memory_space<vmem>> -> memref<1x128x128xf32, #tpu.memory_space<vmem>>
    %dma_wait3A_85 = tpu.memref_squeeze %dma_wait3A_84 : memref<1x128x128xf32, #tpu.memory_space<vmem>> -> memref<128x128xf32, #tpu.memory_space<vmem>>
    %dma_wait3A_86 = arith.constant 0 : i32
    %dma_wait3A_87 = tpu.memref_slice %arg4[%mul3A_80, %dma_wait3A_86] : memref<3276800x128xf32, #tpu.memory_space<hbm>> -> memref<128x128xf32, #tpu.memory_space<hbm>>
    %dma_wait3A_88 = arith.constant 0 : i32
    %dma_wait3A_89 = tpu.memref_slice %arg4[%mul3A_80, %dma_wait3A_88] : memref<3276800x128xf32, #tpu.memory_space<hbm>> -> memref<128x128xf32, #tpu.memory_space<hbm>>
    %dma_wait3A_90 = arith.constant 0 : i32
    %dma_wait3A_91 = arith.constant 0 : i32
    %dma_wait3A_92 = tpu.memref_slice %arg6[%dma_wait3A_81, %dma_wait3A_90, %dma_wait3A_91] : memref<5x128x128xf32, #tpu.memory_space<vmem>> -> memref<1x128x128xf32, #tpu.memory_space<vmem>>
    %dma_wait3A_93 = tpu.memref_squeeze %dma_wait3A_92 : memref<1x128x128xf32, #tpu.memory_space<vmem>> -> memref<128x128xf32, #tpu.memory_space<vmem>>
    tpu.wait_dma2 semaphore(%arg17 : memref<!tpu.dma_semaphore, #tpu.memory_space<semaphore_mem>>) src(%dma_wait3A_93 : memref<128x128xf32, #tpu.memory_space<vmem>>) dst(%dma_wait3A_89 : memref<128x128xf32, #tpu.memory_space<hbm>>)
    %add3A_94 = arith.constant 795 : i32
    %add3A_95 = arith.addi %mul3A_2, %add3A_94 : i32
    %add3A_96 = arith.constant 4 : i32
    %add3A_97 = arith.addi %add3A_95, %add3A_96 : i32
    %mul3A_98 = arith.constant 128 : i32
    %mul3A_99 = arith.muli %add3A_97, %mul3A_98 : i32
    %dma_wait3A_100 = arith.constant 4 : i32
    %dma_wait3A_101 = arith.constant 0 : i32
    %dma_wait3A_102 = arith.constant 0 : i32
    %dma_wait3A_103 = tpu.memref_slice %arg6[%dma_wait3A_100, %dma_wait3A_101, %dma_wait3A_102] : memref<5x128x128xf32, #tpu.memory_space<vmem>> -> memref<1x128x128xf32, #tpu.memory_space<vmem>>
    %dma_wait3A_104 = tpu.memref_squeeze %dma_wait3A_103 : memref<1x128x128xf32, #tpu.memory_space<vmem>> -> memref<128x128xf32, #tpu.memory_space<vmem>>
    %dma_wait3A_105 = arith.constant 0 : i32
    %dma_wait3A_106 = tpu.memref_slice %arg4[%mul3A_99, %dma_wait3A_105] : memref<3276800x128xf32, #tpu.memory_space<hbm>> -> memref<128x128xf32, #tpu.memory_space<hbm>>
    %dma_wait3A_107 = arith.constant 0 : i32
    %dma_wait3A_108 = tpu.memref_slice %arg4[%mul3A_99, %dma_wait3A_107] : memref<3276800x128xf32, #tpu.memory_space<hbm>> -> memref<128x128xf32, #tpu.memory_space<hbm>>
    %dma_wait3A_109 = arith.constant 0 : i32
    %dma_wait3A_110 = arith.constant 0 : i32
    %dma_wait3A_111 = tpu.memref_slice %arg6[%dma_wait3A_100, %dma_wait3A_109, %dma_wait3A_110] : memref<5x128x128xf32, #tpu.memory_space<vmem>> -> memref<1x128x128xf32, #tpu.memory_space<vmem>>
    %dma_wait3A_112 = tpu.memref_squeeze %dma_wait3A_111 : memref<1x128x128xf32, #tpu.memory_space<vmem>> -> memref<128x128xf32, #tpu.memory_space<vmem>>
    tpu.wait_dma2 semaphore(%arg18 : memref<!tpu.dma_semaphore, #tpu.memory_space<semaphore_mem>>) src(%dma_wait3A_112 : memref<128x128xf32, #tpu.memory_space<vmem>>) dst(%dma_wait3A_108 : memref<128x128xf32, #tpu.memory_space<hbm>>)
    return
  }
}

</mosaic_0001>

<sc_bundles>
// kernel: kernel.3.cloned.1.call-start
scs
__scs_entry_jumppad:
0x0: {  	(pc) =	sbr.rel $0x88, $3  }
0x1: {  	(tag) =	ssettag $0x0;
	lr =	simm.s32 $0x1  }
0x2: {  	[smem:$0x3F9F] =	sst lr;
	_ =	strace $0xD0000000  }
0x3: {  	_ = 	snop  }
0x4: {  	_ = 	snop  }
0x5: {  	_ = 	snop  }
0x6: {  	_ = 	snop  }
0x7: {  	_ = 	snop  }
__scs_overlays_trampoline_lowered:
0x8: {  	[smem:$0x3FAE] =	sst s0  }
0x9: {  	[smem:$0x3FAF] =	sst s1  }
0xa: {  	[smem:$0x3FB0] =	sst s2  }
0xb: {  	[smem:$0x3FB1] =	sst s3  }
0xc: {  	[smem:$0x3FB2] =	sst s4  }
0xd: {  	[smem:$0x3FB3] =	sst s5  }
0xe: {  	[smem:$0x3FB4] =	sst s6  }
0xf: {  	[smem:$0x3FB5] =	sst s7  }
0x10: {  	[smem:$0x3FB6] =	sst s8  }
0x11: {  	[smem:$0x3FB7] =	sst s9;
	s0 =	simm.s32 @!p0 $0x0  }
0x12: {  	s1 =	sld [smem:$0x3F9D];
	s0 =	simm.s32 @p0 $0x1  }
0x13: {  	[smem:$0x3FB8] =	sst s0;
	s0 =	simm.s32 @!p1 $0x0  }
0x14: {  	s2 =	sld [smem:$0x3F9C];
	s0 =	simm.s32 @p1 $0x1  }
0x15: {  	[smem:$0x3FB9] =	sst s0;
	s0 =	simm.s32 @!p2 $0x0  }
0x16: {  	s3 =	sld [smem:$0x3FDB];
	s0 =	simm.s32 @p2 $0x1  }
0x17: {  	s4 =	simm.s32 $0x1BF5;
	[smem:$0x3FBB] =	sst s0  }
0x18: {  	s0 =	sld [smem:$0x3F9E];
	_ =	swait.ge [sflag:s4], $0x0  }
0x19: {  	s7 =	sld [smem:$0x3F9F]  }
0x1a: {  	s8 =	sadd.s32 $0xFFFFE003, lr  }
0x1b: {  	s9 =	sadd.s32 $0xFFFFFEF7, lr;
	s5 =	simm.s32 $0xFFFFFFFF;
	p2 =	slt.u32 s8, $0xFFFFF086  }
0x1c: {  	p1 =	slt.u32 s9, $0xF7A;
	s5 =	simm.s32 @!p2 $0x0  }
0x1d: {  	s5 =	simm.s32 @p1 $0x1;
	p0 =	seq.s32 s7, s2  }
0x1e: {  	s7 =	smul.u32 @!p0 $0xF7A, s2;
	p2 =	seq.s32 @!p0 s5, $0x0  }
0x1f: {  	s9 =	smul.u32 $0xF7A, s1;
	s8 =	simm.s32 @!p0 $0x1BF5;
	p2 =	por !p2, p0  }
0x20: {  	[sflag:s8] =	ssyncset.s32 @!p0 $0xFFFFF086;
	s6 =	sadd.s32 @!p0 s3, s7;
	s7 =	simm.s32 @!p0 $0x108  }
0x21: {  	s3 =	sadd.s32 s3, s9;
	s6 =	sadd.s32 @!p0 $0x88, s6;
	s7 =	simm.s32 @p2 $0x1082  }
0x22: {  	[simem:s7], [sflag:s8] =	dma.local @!p0 [hbm:s6], $0xF7A  }
0x23: {  	s9 =	sor.u32 $0xD0000000, s2;
	s6 =	simm.s32 $0x108;
	_ =	swait.ge @!p0 [sflag:s8], $0x0  }
0x24: {  	s3 =	sadd.s32 $0x88, s3;
	s6 =	simm.s32 @!p1 $0x1082;
	[sflag:s4] =	ssyncset.s32 $0xFFFFF086  }
0x25: {  	[simem:s6], [sflag:s4] =	dma.local [hbm:s3], $0xF7A  }
0x26: {  	[smem:$0x3F9F] =	sst s1;
	(tag) =	ssettag s2;
	_ =	strace s9  }
0x27: {  	s1 =	sld [smem:$0x3FAF]  }
0x28: {  	s2 =	sld [smem:$0x3FB0]  }
0x29: {  	s4 =	sld [smem:$0x3FB2]  }
0x2a: {  	p0 =	seq.s32 s5, $0x0;
	s5 =	sld [smem:$0x3FB3]  }
0x2b: {  	s6 =	sld [smem:$0x3FB4]  }
0x2c: {  	s7 =	sld [smem:$0x3FB5]  }
0x2d: {  	s3 =	simm.s32 $0x108;
	s8 =	sld [smem:$0x3FB6]  }
0x2e: {  	s3 =	simm.s32 @!p0 $0x1082;
	s9 =	sld [smem:$0x3FB7]  }
0x2f: {  	lr =	sadd.s32 s0, s3;
	s0 =	sld [smem:$0x3FAE]  }
0x30: {  	s3 =	sld [smem:$0x3FB1]  }
0x31: {  	[smem:$0x3FBA] =	sst s10  }
0x32: {  	s10 =	sld [smem:$0x3FB8];
	_ =	sdelay $0x3  }
0x33: {  	p0 =	seq.s32 s10, $0x1;
	s10 =	sld [smem:$0x3FBA];
	_ =	sdelay $0x3  }
0x34: {  	[smem:$0x3FBA] =	sst s10  }
0x35: {  	s10 =	sld [smem:$0x3FB9];
	_ =	sdelay $0x3  }
0x36: {  	p1 =	seq.s32 s10, $0x1;
	s10 =	sld [smem:$0x3FBA];
	_ =	sdelay $0x3  }
0x37: {  	[smem:$0x3FBA] =	sst s10  }
0x38: {  	s10 =	sld [smem:$0x3FBB]  }
0x39: {  	_ = 	snop;
	(pc) =	sbr.ind lr, $3  }
0x3a: {  	_ = 	snop  }
0x3b: {  	_ = 	snop  }
0x3c: {  	p2 =	seq.s32 s10, $0x1;
	s10 =	sld [smem:$0x3FBA]  }
0x3d: {  	_ =	shalt  }
0x3e: {  	_ =	shalt  }
0x3f: {  	_ =	shalt  }
0x40: {  	_ =	shalt  }
0x41: {  	_ =	shalt  }
0x42: {  	_ =	shalt  }
0x43: {  	_ =	shalt  }
0x44: {  	_ =	shalt  }
0x45: {  	_ =	shalt  }
0x46: {  	_ =	shalt  }
0x47: {  	_ =	shalt  }
0x48: {  	_ =	shalt  }
0x49: {  	_ =	shalt  }
0x4a: {  	_ =	shalt  }
0x4b: {  	_ =	shalt  }
0x4c: {  	_ =	shalt  }
0x4d: {  	_ =	shalt  }
0x4e: {  	_ =	shalt  }
0x4f: {  	_ =	shalt  }
0x50: {  	_ =	shalt  }
0x51: {  	_ =	shalt  }
0x52: {  	_ =	shalt  }
0x53: {  	_ =	shalt  }
0x54: {  	_ =	shalt  }
0x55: {  	_ =	shalt  }
0x56: {  	_ =	shalt  }
0x57: {  	_ =	shalt  }
0x58: {  	_ =	shalt  }
0x59: {  	_ =	shalt  }
0x5a: {  	_ =	shalt  }
0x5b: {  	_ =	shalt  }
0x5c: {  	_ =	shalt  }
0x5d: {  	_ =	shalt  }
0x5e: {  	_ =	shalt  }
0x5f: {  	_ =	shalt  }
0x60: {  	_ =	shalt  }
0x61: {  	_ =	shalt  }
0x62: {  	_ =	shalt  }
0x63: {  	_ =	shalt  }
0x64: {  	_ =	shalt  }
0x65: {  	_ =	shalt  }
0x66: {  	_ =	shalt  }
0x67: {  	_ =	shalt  }
0x68: {  	_ =	shalt  }
0x69: {  	_ =	shalt  }
0x6a: {  	_ =	shalt  }
0x6b: {  	_ =	shalt  }
0x6c: {  	_ =	shalt  }
0x6d: {  	_ =	shalt  }
0x6e: {  	_ =	shalt  }
0x6f: {  	_ =	shalt  }
0x70: {  	_ =	shalt  }
0x71: {  	_ =	shalt  }
0x72: {  	_ =	shalt  }
0x73: {  	_ =	shalt  }
0x74: {  	_ =	shalt  }
0x75: {  	_ =	shalt  }
0x76: {  	_ =	shalt  }
0x77: {  	_ =	shalt  }
0x78: {  	_ =	shalt  }
0x79: {  	_ =	shalt  }
0x7a: {  	_ =	shalt  }
0x7b: {  	_ =	shalt  }
0x7c: {  	_ =	shalt  }
0x7d: {  	_ =	shalt  }
0x7e: {  	_ =	shalt  }
0x7f: {  	_ =	shalt  }
0x80: {  	_ =	shalt  }
0x81: {  	_ =	shalt  }
0x82: {  	_ =	shalt  }
0x83: {  	_ =	shalt  }
0x84: {  	_ =	shalt  }
0x85: {  	_ =	shalt  }
0x86: {  	_ =	shalt  }
0x87: {  	_ =	shalt  }
.Lfunc_end0:
.L_simem_size_0:
called_computation_lowered:
.L_overlay_start_0:
0x88: {  	s2 =	sld [smem:$0x3FD9]  }
0x89: {  	s3 =	sld [smem:$0x3FFE];
	_ =	sdelay $0x1  }
0x8a: {  	s1 =	srdreg.scid  }
0x8b: {  	s0 =	sand.u32 $0x1, s1  }
0x8c: {  	s17 =	sshll.u32 s0, $0xA;
	s2 =	sadd.s32 s3, s2  }
0x8d: {  	s2 =	sadd.s32 s2, s17  }
0x8e: {  	[smem:$0x3FC6] =	sst s2  }
0x8f: {  	_ = 	snop  }
0x90: {  	s2 =	sld [smem:$0x3FC8]  }
0x91: {  	s18 =	sld [smem:$0x3FD0];
	(tm) =	ssettm $0x1  }
0x92: {  	s4 =	sld [smem:$0x3FFB];
	_ =	sdelay $0x3  }
0x93: {  	_ =	strace s4  }
0x94: {  	s4 =	sld [smem:$0x3FFC];
	_ =	sdelay $0x3  }
0x95: {  	_ =	strace s4  }
0x96: {  	s4 =	sld [smem:$0x3FFD];
	_ =	sdelay $0x3  }
0x97: {  	_ =	strace s4  }
0x98: {  	_ =	strace $0x8FFFFFFF  }
0x99: {  	s19 =	sld [smem:$0x3FDB];
	_ =	sdelay $0x1  }
0x9a: {  	s5 =	simm.s32 $_scs_section_size  }
0x9b: {  	s6 =	simm.s32 $_size__tile_overlayer_lowered;
	s7 =	simm.s32 $_tile_overlayer_lowered  }
0x9c: {  	s22 =	simm.s32 $0x1BFF;
	s21 =	sshll.u32 s7, $0x1;
	s4 =	sadd.s32 s5, s19  }
0x9d: {  	s8 =	simm.s32 $0x0;
	s20 =	sshll.u32 s6, $0x1;
	s6 =	sadd.s32 s21, s4  }
0x9e: {  	[timem:s8], [sflag:s22] =	dma.local [hbm:s6], s20  }
0x9f: {  	_ =	swait.ge [sflag:s22], s20  }
0xa0: {  	s5 =	ssub.s32 $0x0, s20;
	[sflag:s22] =	ssyncset.done $0x0  }
0xa1: {  	[sflag:s22] =	ssyncadd.s32 s5;
	_ =	sdelay $0x1  }
0xa2: {  	s23 =	simm.s32 $0x1B8B  }
0xa3: {  	_ =	swait.ge [sflag:s23], $0x1  }
0xa4: {  	[sflag:s23] =	ssyncset.done $0x0  }
0xa5: {  	s25 =	simm.s32 $0x1B8E;
	s24 =	sld [smem:$0x3FFE];
	[sflag:s23] =	ssyncadd.s32 $0xFFFFFFFF  }
0xa6: {  	s26 =	simm.s32 $execute0_lowered;
	[smem:$0x3FD2] =	sst s25  }
0xa7: {  	s6 =	sshll.u32 s26, $0x1;
	_ =	strace $0x80000046;
	[dreg:$0x1] =	wrdreg $0xFFFFFFFF  }
0xa8: {  	s28 =	simm.s32 $_size_execute0_lowered;
	s4 =	sadd.s32 s4, s6;
	[dreg:$0x0] =	wrdreg $0x0  }
0xa9: {  	s6 =	sshll.u32 s28, $0x1;
	[dreg:$0x2] =	wrdreg s4  }
0xaa: {  	[dreg:$0x3] =	wrdreg s6  }
0xab: {  	[dreg:$0x4] =	wrdreg $0xC0  }
0xac: {  	_ =	task [dreg:s8], $0x5FFFF  }
0xad: {  	[dreg:$0x1] =	wrdreg $0xFFFFFFFF  }
0xae: {  	[dreg:$0x0] =	wrdreg $0x60  }
0xaf: {  	[dreg:$0x2] =	wrdreg s24  }
0xb0: {  	[dreg:$0x3] =	wrdreg s2  }
0xb1: {  	[dreg:$0x4] =	wrdreg s18  }
0xb2: {  	[dreg:$0x5] =	wrdreg $0x190000  }
0xb3: {  	[dreg:$0x6] =	wrdreg $0x9  }
0xb4: {  	_ =	task.clear_ibuf [dreg:s8], $0x7FFFF;
	_ =	strace $0x90000046  }
0xb5: {  	s29 =	simm.s32 $0x9;
	_ =	strace $0x80000048  }
0xb6: {  	_ =	swait.ge [sflag:s29], $0x1  }
0xb7: {  	[sflag:s29] =	ssyncadd.s32 $0xFFFFFFFF  }
0xb8: {  	_ =	strace $0x90000048  }
0xb9: {  	_ =	sfence  }
0xba: {  	s30 =	sld [smem:$0x0];
	_ =	sdelay $0x2  }
0xbb: {  	s31 =	sshll.u32 s1, $0xD;
	s1 =	sshrl.u32 s1, $0x2  }
0xbc: {  	s3 =	sand.u32 $0x4000, s31;
	s1 =	sadd.s32 s1, s30  }
0xbd: {  	s0 =	sor.u32 s3, s0;
	s1 =	sshll.u32 s1, $0x11  }
0xbe: {  	s0 =	sor.u32 s1, s0  }
0xbf: {  	s0 =	sadd.s32 $0x8F2B, s0  }
0xc0: {  	[sflag:s0] =	ssyncadd.remote.s32 $0x1  }
0xc1: {  	_ =	sfence.sel $0xFFFF  }
0xc2: {  	[dreg:$0x0] =	wrdreg $0xFFFFFFFF;
	(pc) =	sbr.abs _section_cstart, $3  }
0xc3: {  	[dreg:$0x1] =	wrdreg $0xFFFFFFFF  }
0xc4: {  	_ =	task.clear_ibuf [dreg:s8], $0x2FFFF;
	_ =	strace $0x9FFFFFFF  }
0xc5: {  	(tm) =	ssettm $0x7FFFFFFF  }
tec
execute0_lowered:
.L_overlay_start_1:
0x0: {  	(tag) =	ssettag $0x1  }
0x1: {  	s0 =	rddreg [dreg:$0x0]  }
0x2: {  	s1 =	rddreg [dreg:$0x2];
	s2 =	srdreg.scid  }
0x3: {  	s5 =	stileid.u32;
	s3 =	rddreg [dreg:$0x3];
	s4 =	simm.s32 $0x0  }
0x4: {  	s16 =	simm.s32 $0x80;
	s17 =	simm.s32 $0x5000;
	s18 =	simm.s32 $0x9000  }
0x5: {  	s28 =	simm.s32 $0x5;
	s29 =	simm.s32 $0x6;
	s30 =	simm.s32 $0x7  }
0x6: {  	s2 =	sand.u32 $0x1, s2;
	s6 =	sshll.u32 s5, $0x1;
	s23 =	smul.u32 $0x320000, s5  }
0x7: {  	s7 =	sor.u32 s2, s6;
	s8 =	ssub.s32 $0x2, s2;
	s2 =	smul.u32 $0x190000, s2  }
0x8: {  	s31 =	simm.s32 $0x8;
	[smem:$0x7FF] =	sst s4;
	s9 =	smul.u32 $0x3200, s7  }
0x9: {  	p0 =	sne.s32 s5, $0x0;
	_ =	strace $0x80000047;
	s11 =	smul.u32 $0x190000, s7  }
0xa: {  	s6 =	sadd.s32 $0x400, s0;
	s10 =	sshrl.u32 s8, $0x1;
	s7 =	smul.u32 $0x320, s7  }
0xb: {  	s20 =	ssub.s32 s8, s10;
	s21 =	sadd.s32 s6, s9;
	[dreg:$0x5] =	wrdreg s11  }
0xc: {  	s14 =	sadd.s32 s2, s23;
	s22 =	sor.u32 $0x800, s11;
	[dreg:$0x6] =	wrdreg s21  }
0xd: {  	s23 =	simm.s32 $0x15000;
	s24 =	sor.u32 $0x1000, s11;
	[dreg:$0x7] =	wrdreg s22  }
0xe: {  	s2 =	simm.s32 $0x9;
	s25 =	sor.u32 $0x1800, s11;
	[dreg:$0x8] =	wrdreg s24  }
0xf: {  	s8 =	simm.s32 $0xB;
	s26 =	sor.u32 $0x2000, s11;
	[dreg:$0x9] =	wrdreg s25  }
0x10: {  	s0 =	smax.u32 s20, $0x1;
	s20 =	simm.s32 $0xD000;
	[dreg:$0xa] =	wrdreg s26  }
0x11: {  	s9 =	simm.s32 $0x0;
	[dreg:$0xb] =	wrdreg s0;
	s0 =	sshrl.u32 @!p0 s3, $0x3  }
0x12: {  	s22 =	simm.s32 $0x11000;
	s24 =	simm.s32 $0x2;
	s25 =	simm.s32 $0x3  }
0x13: {  	s26 =	simm.s32 $0x4;
	[dreg:$0xc] =	wrdreg s0;
	s0 =	simm.s32 $0xA  }
.LBB2_1:
0x14: {  	[dreg:$0xd] =	wrdreg s9  }
0x15: {  	s9 =	rddreg [dreg:$0x1]  }
0x16: {  	s5 =	simm.s32 @!p0 $0x1C0C;
	s10 =	rddreg [dreg:$0xc]  }
0x17: {  	[spmem:s10], [sflag:s5] =	dma.local @!p0 [hbm:s9], $0x3EA0  }
0x18: {  	s5 =	simm.s32 @!p0 $0xC  }
0x19: {  	_ =	swait.ge @!p0 [sflag:s5], $0x3EA0  }
0x1a: {  	[sflag:s5] =	ssyncset.done @!p0 $0x0  }
0x1b: {  	s15 =	simm.s32 $0x0;
	s21 =	rddreg [dreg:$0x6];
	[sflag:s5] =	ssyncadd.s32 @!p0 $0xFFFFC160  }
0x1c: {  	[tilespmem:s4], [sflag:$0x1] =	stream.linear.gather [hbm4b:s21+s4], $0x2800, $0x38;
	[tilespmem:$0x1AF50] =	vst v63  }
0x1d: {  	s19 =	simm.s32 $0x0;
	s21 =	simm.s32 $0x0;
	[bflag:$0x0] =	sbarrier.arrive $0xFFFF  }
.LBB2_2:
0x1e: {  	s5 =	sand.u32 $0xF, s21  }
0x1f: {  	p2 =	sne.s32 s5, $0x0  }
0x20: {  	p1 =	sgt.u32 @!p2 s21, $0x8F  }
0x21: {  	p1 =	por p2, p1  }
0x22: {  	s5 =	simm.s32 @!p2 $0x1;
	s9 =	sshrl.u32 @!p1 s21, $0x4  }
0x23: {  	_ =	swait.ge @!p2 [sflag:s5], $0x2800;
	s9 =	sadd.s32 @!p1 $0x1, s9  }
0x24: {  	[sflag:s5] =	ssyncset.done @!p2 $0x0;
	s10 =	smul.u32 @!p1 $0x50, s9  }
0x25: {  	[sflag:s5] =	ssyncadd.s32 @!p2 $0xFFFFD800;
	s5 =	sand.u32 @!p1 $0x1, s9  }
0x26: {  	p2 =	sne.s32 @!p1 s19, $0x0;
	p3 =	seq.s32 @!p1 s5, $0x1;
	s5 =	sadd.s32 @!p1 s7, s10  }
0x27: {  	s9 =	simm.s32 @!p1 $0x2800;
	p3 =	por !p3, p1;
	s5 =	sshll.u32 @!p1 s5, $0x4  }
0x28: {  	s10 =	simm.s32 @!p1 $0x0;
	s9 =	simm.s32 @p3 $0x0;
	s5 =	sadd.s32 @!p1 s6, s5  }
0x29: {  	[tilespmem:s9], [sflag:$0x1] =	stream.linear.gather @!p1 [hbm4b:s5+s10], $0x2800, $0x38;
	[tilespmem:$0x1AF50] =	vst v63  }
0x2a: {  	p1 =	por p1, p2  }
0x2b: {  	s13 =	simm.s32 @!p1 $0x0  }
0x2c: {  	[tilespmem:s17], [sflag:$0x2] =	stream.indirect.gather @!p1 [spmem:s3], $0x80, s13, s16, $0xb8;
	[tilespmem:$0x1AF50] =	vst v63  }
0x2d: {  	_ = 	snop  }
0x2e: {  	[tilespmem:s18], [sflag:$0x3] =	stream.indirect.gather @!p1 [spmem:s3], $0x80, s16, s16, $0xb8;
	[tilespmem:$0x1AF50] =	vst v63  }
0x2f: {  	s5 =	simm.s32 @!p1 $0x100  }
0x30: {  	[tilespmem:s20], [sflag:$0x4] =	stream.indirect.gather @!p1 [spmem:s3], $0x80, s5, s16, $0xb8;
	[tilespmem:$0x1AF50] =	vst v63  }
0x31: {  	s5 =	simm.s32 @!p1 $0x180  }
0x32: {  	[tilespmem:s22], [sflag:$0x5] =	stream.indirect.gather @!p1 [spmem:s3], $0x80, s5, s16, $0xb8;
	[tilespmem:$0x1AF50] =	vst v63  }
0x33: {  	s5 =	rddreg @!p1 [dreg:$0x5]  }
0x34: {  	s5 =	smul.u32 @p1 $0xCCCD, s15;
	_ =	sdelay $0x1  }
0x35: {  	s12 =	rddreg @!p1 [dreg:$0xa];
	s5 =	sshrl.u32 @p1 s5, $0x17  }
0x36: {  	s10 =	rddreg @!p1 [dreg:$0x8];
	s5 =	smul.u32 @p1 $0xA0, s5  }
0x37: {  	s9 =	rddreg @!p1 [dreg:$0x7]  }
0x38: {  	s11 =	rddreg @!p1 [dreg:$0x9];
	_ =	swait.ge @p1 [sflag:s30], $0x4000;
	s5 =	ssub.s32 @p1 s15, s5  }
0x39: {  	[sflag:s30] =	ssyncset.done @p1 $0x0;
	s5 =	sand.u32 @p1 $0xFFFF, s5  }
0x3a: {  	[sflag:s30] =	ssyncadd.s32 @p1 $0xFFFFC000;
	s13 =	sshll.u32 @p1 s5, $0x7  }
0x3b: {  	[tilespmem:s17], [sflag:$0x2] =	stream.indirect.gather @p1 [spmem:s3], $0x80, s13, s16, $0xb8;
	[tilespmem:$0x1AF50] =	vst v63  }
0x3c: {  	_ =	swait.ge @p1 [sflag:s31], $0x4000  }
0x3d: {  	[sflag:s31] =	ssyncset.done @p1 $0x0  }
0x3e: {  	s5 =	sadd.s32 @p1 $0x80, s13;
	[sflag:s31] =	ssyncadd.s32 @p1 $0xFFFFC000  }
0x3f: {  	[tilespmem:s18], [sflag:$0x3] =	stream.indirect.gather @p1 [spmem:s3], $0x80, s5, s16, $0xb8;
	[tilespmem:$0x1AF50] =	vst v63  }
0x40: {  	_ =	swait.ge @p1 [sflag:s2], $0x4000  }
0x41: {  	[sflag:s2] =	ssyncset.done @p1 $0x0  }
0x42: {  	s5 =	sadd.s32 @p1 $0x100, s13;
	[sflag:s2] =	ssyncadd.s32 @p1 $0xFFFFC000  }
0x43: {  	[tilespmem:s20], [sflag:$0x4] =	stream.indirect.gather @p1 [spmem:s3], $0x80, s5, s16, $0xb8;
	[tilespmem:$0x1AF50] =	vst v63  }
0x44: {  	_ =	swait.ge @p1 [sflag:s0], $0x4000  }
0x45: {  	[sflag:s0] =	ssyncset.done @p1 $0x0  }
0x46: {  	s5 =	sadd.s32 @p1 $0x180, s13;
	[sflag:s0] =	ssyncadd.s32 @p1 $0xFFFFC000  }
0x47: {  	[tilespmem:s22], [sflag:$0x5] =	stream.indirect.gather @p1 [spmem:s3], $0x80, s5, s16, $0xb8;
	[tilespmem:$0x1AF50] =	vst v63  }
0x48: {  	_ =	swait.ge @p1 [sflag:s8], $0x4000  }
0x49: {  	s5 =	sadd.s32 @p1 s19, s14;
	[sflag:s8] =	ssyncset.done @p1 $0x0  }
0x4a: {  	s13 =	sadd.s32 $0x200, s13;
	s9 =	sadd.s32 @p1 $0x800, s5;
	[sflag:s8] =	ssyncadd.s32 @p1 $0xFFFFC000  }
0x4b: {  	[tilespmem:s23], [sflag:$0x6] =	stream.indirect.gather [spmem:s3], $0x80, s13, s16, $0xb8;
	[tilespmem:$0x1AF50] =	vst v63  }
0x4c: {  	s10 =	sadd.s32 @p1 $0x1000, s5;
	s11 =	sadd.s32 @p1 $0x1800, s5;
	_ =	swait.ge [sflag:s24], $0x4000  }
0x4d: {  	s12 =	sadd.s32 @p1 $0x2000, s5;
	s5 =	sand.u32 $0x1FFFF800, s5;
	[sflag:s24] =	ssyncset.done $0x0  }
0x4e: {  	s5 =	sadd.s32 s1, s5;
	[sflag:s24] =	ssyncadd.s32 $0xFFFFC000  }
0x4f: {  	[hbm4b:s5+s4] =	stream.linear.scatter [tilespmem:s17], [sflag:$0x7], $0x4000, $0x38;
	[tilespmem:$0x1AF50] =	vst v63  }
0x50: {  	_ =	swait.ge [sflag:s25], $0x4000  }
0x51: {  	[sflag:s25] =	ssyncset.done $0x0  }
0x52: {  	s9 =	sadd.s32 s1, s9;
	[sflag:s25] =	ssyncadd.s32 $0xFFFFC000  }
0x53: {  	[hbm4b:s9+s4] =	stream.linear.scatter [tilespmem:s18], [sflag:$0x8], $0x4000, $0x38;
	[tilespmem:$0x1AF50] =	vst v63  }
0x54: {  	_ =	swait.ge [sflag:s26], $0x4000  }
0x55: {  	[sflag:s26] =	ssyncset.done $0x0  }
0x56: {  	s10 =	sadd.s32 s1, s10;
	[sflag:s26] =	ssyncadd.s32 $0xFFFFC000  }
0x57: {  	[hbm4b:s10+s4] =	stream.linear.scatter [tilespmem:s20], [sflag:$0x9], $0x4000, $0x38;
	[tilespmem:$0x1AF50] =	vst v63  }
0x58: {  	_ =	swait.ge [sflag:s28], $0x4000  }
0x59: {  	s19 =	sadd.s32 $0x2800, s19;
	[sflag:s28] =	ssyncset.done $0x0  }
0x5a: {  	s11 =	sadd.s32 s1, s11;
	p1 =	sne.s32 s19, $0x190000;
	[sflag:s28] =	ssyncadd.s32 $0xFFFFC000  }
0x5b: {  	[hbm4b:s11+s4] =	stream.linear.scatter [tilespmem:s22], [sflag:$0xA], $0x4000, $0x38;
	[tilespmem:$0x1AF50] =	vst v63  }
.Ltmp0:
0x5c: {  	_ = 	snop;
	(pc) =	sbr.rel @p1 .LBB2_2-.Ltmp0, $4  }
0x5d: {  	_ =	swait.ge [sflag:s29], $0x4000  }
0x5e: {  	s21 =	sadd.s32 $0x1, s21;
	[sflag:s29] =	ssyncset.done $0x0  }
0x5f: {  	s15 =	sadd.s32 $0x5, s15;
	s13 =	sadd.s32 s1, s12;
	[sflag:s29] =	ssyncadd.s32 $0xFFFFC000  }
0x60: {  	[hbm4b:s13+s4] =	stream.linear.scatter [tilespmem:s23], [sflag:$0xB], $0x4000, $0x38;
	[tilespmem:$0x1AF50] =	vst v63  }
0x61: {  	_ =	swait.ge [sflag:s30], $0x4000  }
0x62: {  	[sflag:s30] =	ssyncset.done $0x0  }
0x63: {  	[sflag:s30] =	ssyncadd.s32 $0xFFFFC000  }
0x64: {  	_ =	swait.ge [sflag:s31], $0x4000  }
0x65: {  	[sflag:s31] =	ssyncset.done $0x0  }
0x66: {  	[sflag:s31] =	ssyncadd.s32 $0xFFFFC000  }
0x67: {  	_ =	swait.ge [sflag:s2], $0x4000  }
0x68: {  	[sflag:s2] =	ssyncset.done $0x0  }
0x69: {  	[sflag:s2] =	ssyncadd.s32 $0xFFFFC000  }
0x6a: {  	_ =	swait.ge [sflag:s0], $0x4000  }
0x6b: {  	[sflag:s0] =	ssyncset.done $0x0  }
0x6c: {  	[sflag:s0] =	ssyncadd.s32 $0xFFFFC000  }
0x6d: {  	_ =	swait.ge [sflag:s8], $0x4000  }
0x6e: {  	s9 =	rddreg [dreg:$0xd]  }
0x6f: {  	s5 =	rddreg [dreg:$0xb];
	s9 =	sadd.s32 $0x1, s9  }
0x70: {  	p1 =	sne.s32 s9, s5  }
.Ltmp1:
0x71: {  	_ = 	snop;
	(pc) =	sbr.rel @p1 .LBB2_1-.Ltmp1, $3  }
0x72: {  	_ =	sdelay $0x1  }
0x73: {  	[sflag:s8] =	ssyncset.done $0x0  }
0x74: {  	[sflag:s8] =	ssyncadd.s32 $0xFFFFC000  }
0x75: {  	_ =	sfence.sel $0x180000  }
0x76: {  	[bflag:$0x0] =	sbarrier.arrive $0xFFFF  }
0x77: {  	_ =	strace $0x90000047  }
0x78: {  	[bflag:$0x2] =	sbarrier.arrive $0xFFFF  }
0x79: {  	s0 =	rddreg [dreg:$0x4]  }
0x7a: {  	s0 =	sadd.s32 @!p0 $0x100000, s0  }
0x7b: {  	[sflag:s0] =	ssyncadd.tile.s32 @!p0 $0x1;
	_ =	shalt  }
.Lfunc_end2:
_tile_overlayer_lowered:
.L_overlay_start_2:
0x7c: {  	(tag) =	ssettag $0x2  }
0x7d: {  	s0 =	rddreg [dreg:$0x0];
	s2 =	stileid.u32  }
0x7e: {  	s1 =	rddreg [dreg:$0x1];
	p0 =	sne.s32 s2, $0x0  }
0x7f: {  	s3 =	rddreg [dreg:$0x2];
	[bflag:$0x3] =	sbarrier.arrive $0xFFFF;
	s2 =	simm.s32 @!p0 $0x1C0C  }
0x80: {  	[timem:s3], [sflag:s2] =	dma.local @!p0 [hbm:s0], s1  }
0x81: {  	s0 =	simm.s32 @!p0 $0xC  }
0x82: {  	_ =	swait.ge @!p0 [sflag:s0], s1  }
0x83: {  	s1 =	ssub.s32 @!p0 $0x0, s1;
	[sflag:s0] =	ssyncset.done @!p0 $0x0  }
0x84: {  	[sflag:s0] =	ssyncadd.s32 @!p0 s1  }
0x85: {  	[bflag:$0x3] =	sbarrier.arrive $0xFFFF  }
0x86: {  	_ =	shalt  }

</sc_bundles>
